<compile_context>
chip_gen: v7x
topology: tpu7x:2x2x1
jax: 0.10.2.dev20260603
libtpu: 0.0.44.dev20260713+nightly
codegen_flags: <defaults>
</compile_context>

<pallas_src>
import functools

import jax
import jax.numpy as jnp
from jax import lax
from jax.experimental import pallas as pl
from jax.experimental.pallas import tpu as pltpu
from jax.experimental.pallas import tpu_sc as plsc

MARGIN_ = 1.0
NC, NS, L = 2, 16, 16
NW = NC * NS
U = 8
NEG_INF = float("-inf")
BIG = 1e30
SC_FRAC_NUM, SC_FRAC_DEN = 1, 4
SC_CHUNK = 16384


def _worker_id():
    return lax.axis_index("s") * NC + lax.axis_index("c")



def _make_sc_stats(sc_base, n_sc, chunk):
    per_w = n_sc // NW
    n_chunks = per_w // chunk
    assert per_w % chunk == 0
    mesh = plsc.VectorSubcoreMesh(core_axis_name="c", subcore_axis_name="s")

    @functools.partial(
        pl.kernel,
        mesh=mesh,
        out_type=jax.ShapeDtypeStruct((NW, 3 * L), jnp.float32),
        scratch_types=[
            pltpu.VMEM((chunk,), jnp.float32),
            pltpu.VMEM((chunk,), jnp.float32),
            pltpu.VMEM((chunk,), jnp.int32),
            pltpu.VMEM((chunk,), jnp.int32),
            pltpu.VMEM((3 * L,), jnp.float32),
            pltpu.SemaphoreType.DMA,
            pltpu.SemaphoreType.DMA,
        ],
    )
    def sc_stats(scores_hbm, target_hbm, out_hbm,
                 sb0, sb1, tb0, tb1, rbuf, sem0, sem1):
        wid = _worker_id()
        base = sc_base + wid * per_w
        sbufs, tbufs, sems = (sb0, sb1), (tb0, tb1), (sem0, sem1)

        def issue(ci):
            b = ci % 2
            off = base + ci * chunk
            return (
                pltpu.async_copy(scores_hbm.at[pl.ds(off, chunk)], sbufs[b], sems[b]),
                pltpu.async_copy(target_hbm.at[pl.ds(off, chunk)], tbufs[b], sems[b]),
            )

        pend = [None, None]
        pend[0] = issue(0)
        carry = (
            tuple(jnp.full((L,), NEG_INF, jnp.float32) for _ in range(U)),
            tuple(jnp.zeros((L,), jnp.float32) for _ in range(U)),
            tuple(jnp.zeros((L,), jnp.int32) for _ in range(U)),
        )
        for ci in range(n_chunks):
            if ci + 1 < n_chunks:
                pend[(ci + 1) % 2] = issue(ci + 1)
            b = ci % 2
            d0, d1 = pend[b]
            d0.wait()
            d1.wait()
            sbuf, tbuf = sbufs[b], tbufs[b]

            def body(i, c, sbuf=sbuf, tbuf=tbuf):
                ms, ss, cs = list(c[0]), list(c[1]), list(c[2])
                for j in range(U):
                    s = sbuf[pl.ds(i + j * L, L)]
                    t = tbuf[pl.ds(i + j * L, L)]
                    neg = t == 0
                    ms[j] = jnp.maximum(ms[j], jnp.where(neg, s, NEG_INF))
                    ss[j] = ss[j] + jnp.where(neg, s, 0.0)
                    cs[j] = cs[j] + t
                return tuple(ms), tuple(ss), tuple(cs)

            carry = plsc.parallel_loop(0, chunk, step=U * L, carry=carry)(body)

        ms, ss, cs = carry
        m = functools.reduce(jnp.maximum, ms)
        sm = functools.reduce(jnp.add, ss)
        npos = functools.reduce(jnp.add, cs)
        nneg = ((per_w // L) - npos).astype(jnp.float32)
        rbuf[pl.ds(0, L)] = m
        rbuf[pl.ds(L, L)] = sm
        rbuf[pl.ds(2 * L, L)] = nneg
        pltpu.sync_copy(rbuf, out_hbm.at[wid])

    return sc_stats



def _make_tc_stats(n_tc, block_rows):
    rows = n_tc // 128
    half = rows // 2
    assert half % block_rows == 0
    grid = half // block_rows

    def body(sa_ref, sb_ref, ta_ref, tb_ref, om_ref, oa_ref, op_ref, oc_ref):
        i = pl.program_id(0)
        xm = None
        for s_ref, t_ref in ((sa_ref, ta_ref), (sb_ref, tb_ref)):
            x = s_ref[...]
            t = t_ref[...]
            tf = t.astype(jnp.float32)
            m = jnp.max(x - tf * BIG, axis=0, keepdims=True)
            a = jnp.sum(x, axis=0, keepdims=True)
            p = jnp.sum(x * tf, axis=0, keepdims=True)
            cc = jnp.sum(t, axis=0, keepdims=True)
            if xm is None:
                xm, xa, xp, xc = m, a, p, cc
            else:
                xm = jnp.maximum(xm, m)
                xa, xp, xc = xa + a, xp + p, xc + cc

        @pl.when(i == 0)
        def _():
            om_ref[...] = xm
            oa_ref[...] = xa
            op_ref[...] = xp
            oc_ref[...] = xc

        @pl.when(i > 0)
        def _():
            om_ref[...] = jnp.maximum(om_ref[...], xm)
            oa_ref[...] = oa_ref[...] + xa
            op_ref[...] = op_ref[...] + xp
            oc_ref[...] = oc_ref[...] + xc

    return pl.pallas_call(
        body,
        grid=(grid,),
        in_specs=[
            pl.BlockSpec((block_rows, 128), lambda i: (i, 0)),
            pl.BlockSpec((block_rows, 128), lambda i: (i + grid, 0)),
            pl.BlockSpec((block_rows, 128), lambda i: (i, 0)),
            pl.BlockSpec((block_rows, 128), lambda i: (i + grid, 0)),
        ],
        out_specs=[pl.BlockSpec((1, 128), lambda i: (0, 0))] * 4,
        out_shape=[
            jax.ShapeDtypeStruct((1, 128), jnp.float32),
            jax.ShapeDtypeStruct((1, 128), jnp.float32),
            jax.ShapeDtypeStruct((1, 128), jnp.float32),
            jax.ShapeDtypeStruct((1, 128), jnp.int32),
        ],
    )


def _make_tc_combine(n, n_tc):
    def body(st_ref, tm_ref, ta_ref, tp_ref, tc_ref, out_ref):
        st = st_ref[...]
        lane = lax.broadcasted_iota(jnp.int32, (NW, 3 * L), 1)
        m_sc = jnp.max(jnp.where(lane < L, st, NEG_INF))
        sm_sc = jnp.sum(jnp.where((lane >= L) & (lane < 2 * L), st, 0.0))
        nn_sc = jnp.sum(jnp.where(lane >= 2 * L, st, 0.0))
        m_tc = jnp.max(tm_ref[...])
        np_tc = jnp.sum(tc_ref[...]).astype(jnp.float32)
        nn_tc = jnp.float32(n_tc) - np_tc
        sm_tc = jnp.sum(ta_ref[...]) - jnp.sum(tp_ref[...])
        c = MARGIN_ + jnp.maximum(m_sc, m_tc)
        n_neg = nn_sc + nn_tc
        sum_neg = sm_sc + sm_tc
        out_ref[0] = c
        out_ref[1] = jnp.where(n_neg > 0, c * n_neg - sum_neg, 0.0)
        out_ref[2] = jnp.float32(n) - n_neg

    return pl.pallas_call(
        body,
        out_specs=pl.BlockSpec(memory_space=pltpu.SMEM),
        out_shape=jax.ShapeDtypeStruct((4,), jnp.float32),
    )


def _make_tc_hinge(n, block_rows):
    rows = n // 128
    half = rows // 2
    assert half % block_rows == 0
    grid = half // block_rows

    def body(c_ref, sa_ref, sb_ref, out_ref, acc_ref):
        i = pl.program_id(0)

        @pl.when(i == 0)
        def _():
            acc_ref[...] = jnp.zeros_like(acc_ref)

        c = c_ref[0]
        acc_ref[...] = (acc_ref[...]
                        + jnp.sum(jnp.maximum(c - sa_ref[...], 0.0),
                                  axis=0, keepdims=True)
                        + jnp.sum(jnp.maximum(c - sb_ref[...], 0.0),
                                  axis=0, keepdims=True))

        @pl.when(i == grid - 1)
        def _():
            total = jnp.sum(acc_ref[...])
            out_ref[0, 0] = (total - c_ref[1]) / c_ref[2]

    return pl.pallas_call(
        body,
        grid=(grid,),
        in_specs=[
            pl.BlockSpec(memory_space=pltpu.SMEM),
            pl.BlockSpec((block_rows, 128), lambda i: (i, 0)),
            pl.BlockSpec((block_rows, 128), lambda i: (i + grid, 0)),
        ],
        out_specs=pl.BlockSpec(memory_space=pltpu.SMEM),
        out_shape=jax.ShapeDtypeStruct((1, 1), jnp.float32),
        scratch_shapes=[pltpu.VMEM((1, 128), jnp.float32)],
    )


def kernel(scores, target):
    n = scores.shape[0]
    n_sc = (n * SC_FRAC_NUM) // SC_FRAC_DEN
    n_tc = n - n_sc

    scores2d = scores.reshape(-1, 128)
    target2d = target.reshape(-1, 128)

    tm, ta, tp, tcnt = _make_tc_stats(n_tc, 4096)(scores2d, scores2d,
                                                  target2d, target2d)
    st = _make_sc_stats(n_tc, n_sc, SC_CHUNK)(scores, target)

    cvec = _make_tc_combine(n, n_tc)(st, tm, ta, tp, tcnt)
    loss = _make_tc_hinge(n, 4096)(cvec, scores2d, scores2d)
    return loss.reshape(())

# --- scband reference (transcript-rebuilt; emitter-appended) ---
"""Pipeline reference for scband-min-max-pairwise-margin-ranking-loss-54872502173953 (READ-ONLY COPY).

The authoritative reference and input builder live on the scoring server;
editing this copy changes nothing except your own understanding.
"""

import jax, jax.numpy as jnp
import numpy as np

MARGIN = 1.0
N = 4194304

def setup_inputs(seed: int = 0) -> dict:
    key = jax.random.key(seed)
    k1, k2 = jax.random.split(key)
    scores = jax.random.normal(k1, (N,), dtype=jnp.float32)
    target = jax.random.randint(k2, (N,), 0, 2, dtype=jnp.int32)
    return {"scores": scores, "target": target}

def reference(scores, target):
    # positive_scores = scores[target == 1]; negative_scores = scores[target == 0]
    pos_mask = target == 1
    neg_mask = target == 0
    # max over negative scores (masked max)
    max_negative_score = jnp.max(jnp.where(neg_mask, scores, -jnp.inf))
    # sum over positives of relu(margin - pos_score + max_negative_score)
    per_elem = jax.nn.relu(MARGIN - scores + max_negative_score)
    n_pos = jnp.sum(pos_mask).astype(jnp.float32)
    loss = jnp.sum(jnp.where(pos_mask, per_elem, 0.0)) / n_pos
    return loss

if __name__ == "__main__":
    import jax
    _d = setup_inputs()
    print(jax.jit(kernel)(*tuple(_d.values())))

</pallas_src>

<mosaic_0001>
#map = affine_map<(d0, d1) -> (0)>
#map1 = affine_map<(d0, d1) -> (0, 0)>
module attributes {stable_mosaic.version = 14 : i64} {
  func.func @sc_stats(%arg0: i32, %arg1: i32, %arg2: memref<4194304xf32, #tpu.memory_space<hbm>>, %arg3: memref<4194304xi32, #tpu.memory_space<hbm>>, %arg4: memref<32x48xf32, #tpu.memory_space<hbm>>, %arg5: memref<16384xf32, #tpu.memory_space<vmem>>, %arg6: memref<16384xf32, #tpu.memory_space<vmem>>, %arg7: memref<16384xi32, #tpu.memory_space<vmem>>, %arg8: memref<16384xi32, #tpu.memory_space<vmem>>, %arg9: memref<48xf32, #tpu.memory_space<vmem>>, %arg10: memref<!tpu.dma_semaphore, #tpu.memory_space<semaphore_mem>>, %arg11: memref<!tpu.dma_semaphore, #tpu.memory_space<semaphore_mem>>) attributes {dimension_semantics = [#tpu.dimension_semantics<core_parallel>, #tpu.dimension_semantics<subcore_parallel>], iteration_bounds = array<i64: 2, 16>, scalar_prefetch = 0 : i64, scratch_operands = 7 : i64, tpu.core_type = #tpu.core_type<sc_vector_subcore>, window_params = [{transform_indices = #map}, {transform_indices = #map}, {transform_indices = #map1}]} {
    %mul3A = arith.constant 2 : i32
    %mul3A_0 = arith.muli %arg1, %mul3A : i32
    %add3A = arith.addi %mul3A_0, %arg0 : i32
    %mul3A_1 = arith.constant 32768 : i32
    %mul3A_2 = arith.muli %add3A, %mul3A_1 : i32
    %add3A_3 = arith.constant 3145728 : i32
    %add3A_4 = arith.addi %add3A_3, %mul3A_2 : i32
    %add3A_5 = arith.constant 0 : i32
    %add3A_6 = arith.addi %add3A_4, %add3A_5 : i32
    %dma_start3A = tpu.memref_slice %arg2[%add3A_6] : memref<4194304xf32, #tpu.memory_space<hbm>> -> memref<16384xf32, #tpu.memory_space<hbm>>
    %dma_start3A_7 = tpu.memref_slice %arg2[%add3A_6] : memref<4194304xf32, #tpu.memory_space<hbm>> -> memref<16384xf32, #tpu.memory_space<hbm>>
    tpu.enqueue_dma source(%dma_start3A_7 : memref<16384xf32, #tpu.memory_space<hbm>>) target(%arg5 : memref<16384xf32, #tpu.memory_space<vmem>>) target_semaphore(%arg10 : memref<!tpu.dma_semaphore, #tpu.memory_space<semaphore_mem>>)
    %dma_start3A_8 = tpu.memref_slice %arg3[%add3A_6] : memref<4194304xi32, #tpu.memory_space<hbm>> -> memref<16384xi32, #tpu.memory_space<hbm>>
    %dma_start3A_9 = tpu.memref_slice %arg3[%add3A_6] : memref<4194304xi32, #tpu.memory_space<hbm>> -> memref<16384xi32, #tpu.memory_space<hbm>>
    tpu.enqueue_dma source(%dma_start3A_9 : memref<16384xi32, #tpu.memory_space<hbm>>) target(%arg7 : memref<16384xi32, #tpu.memory_space<vmem>>) target_semaphore(%arg10 : memref<!tpu.dma_semaphore, #tpu.memory_space<semaphore_mem>>)
    %broadcast_in_dim3A = arith.constant 0xFF800000 : f32
    %broadcast_in_dim3A_10 = vector.broadcast %broadcast_in_dim3A : f32 to vector<16xf32>
    %broadcast_in_dim3A_11 = arith.constant 0xFF800000 : f32
    %broadcast_in_dim3A_12 = vector.broadcast %broadcast_in_dim3A_11 : f32 to vector<16xf32>
    %broadcast_in_dim3A_13 = arith.constant 0xFF800000 : f32
    %broadcast_in_dim3A_14 = vector.broadcast %broadcast_in_dim3A_13 : f32 to vector<16xf32>
    %broadcast_in_dim3A_15 = arith.constant 0xFF800000 : f32
    %broadcast_in_dim3A_16 = vector.broadcast %broadcast_in_dim3A_15 : f32 to vector<16xf32>
    %broadcast_in_dim3A_17 = arith.constant 0xFF800000 : f32
    %broadcast_in_dim3A_18 = vector.broadcast %broadcast_in_dim3A_17 : f32 to vector<16xf32>
    %broadcast_in_dim3A_19 = arith.constant 0xFF800000 : f32
    %broadcast_in_dim3A_20 = vector.broadcast %broadcast_in_dim3A_19 : f32 to vector<16xf32>
    %broadcast_in_dim3A_21 = arith.constant 0xFF800000 : f32
    %broadcast_in_dim3A_22 = vector.broadcast %broadcast_in_dim3A_21 : f32 to vector<16xf32>
    %broadcast_in_dim3A_23 = arith.constant 0xFF800000 : f32
    %broadcast_in_dim3A_24 = vector.broadcast %broadcast_in_dim3A_23 : f32 to vector<16xf32>
    %broadcast_in_dim3A_25 = arith.constant 0.000000e+00 : f32
    %broadcast_in_dim3A_26 = vector.broadcast %broadcast_in_dim3A_25 : f32 to vector<16xf32>
    %broadcast_in_dim3A_27 = arith.constant 0.000000e+00 : f32
    %broadcast_in_dim3A_28 = vector.broadcast %broadcast_in_dim3A_27 : f32 to vector<16xf32>
    %broadcast_in_dim3A_29 = arith.constant 0.000000e+00 : f32
    %broadcast_in_dim3A_30 = vector.broadcast %broadcast_in_dim3A_29 : f32 to vector<16xf32>
    %broadcast_in_dim3A_31 = arith.constant 0.000000e+00 : f32
    %broadcast_in_dim3A_32 = vector.broadcast %broadcast_in_dim3A_31 : f32 to vector<16xf32>
    %broadcast_in_dim3A_33 = arith.constant 0.000000e+00 : f32
    %broadcast_in_dim3A_34 = vector.broadcast %broadcast_in_dim3A_33 : f32 to vector<16xf32>
    %broadcast_in_dim3A_35 = arith.constant 0.000000e+00 : f32
    %broadcast_in_dim3A_36 = vector.broadcast %broadcast_in_dim3A_35 : f32 to vector<16xf32>
    %broadcast_in_dim3A_37 = arith.constant 0.000000e+00 : f32
    %broadcast_in_dim3A_38 = vector.broadcast %broadcast_in_dim3A_37 : f32 to vector<16xf32>
    %broadcast_in_dim3A_39 = arith.constant 0.000000e+00 : f32
    %broadcast_in_dim3A_40 = vector.broadcast %broadcast_in_dim3A_39 : f32 to vector<16xf32>
    %broadcast_in_dim3A_41 = arith.constant 0 : i32
    %broadcast_in_dim3A_42 = vector.broadcast %broadcast_in_dim3A_41 : i32 to vector<16xi32>
    %broadcast_in_dim3A_43 = arith.constant 0 : i32
    %broadcast_in_dim3A_44 = vector.broadcast %broadcast_in_dim3A_43 : i32 to vector<16xi32>
    %broadcast_in_dim3A_45 = arith.constant 0 : i32
    %broadcast_in_dim3A_46 = vector.broadcast %broadcast_in_dim3A_45 : i32 to vector<16xi32>
    %broadcast_in_dim3A_47 = arith.constant 0 : i32
    %broadcast_in_dim3A_48 = vector.broadcast %broadcast_in_dim3A_47 : i32 to vector<16xi32>
    %broadcast_in_dim3A_49 = arith.constant 0 : i32
    %broadcast_in_dim3A_50 = vector.broadcast %broadcast_in_dim3A_49 : i32 to vector<16xi32>
    %broadcast_in_dim3A_51 = arith.constant 0 : i32
    %broadcast_in_dim3A_52 = vector.broadcast %broadcast_in_dim3A_51 : i32 to vector<16xi32>
    %broadcast_in_dim3A_53 = arith.constant 0 : i32
    %broadcast_in_dim3A_54 = vector.broadcast %broadcast_in_dim3A_53 : i32 to vector<16xi32>
    %broadcast_in_dim3A_55 = arith.constant 0 : i32
    %broadcast_in_dim3A_56 = vector.broadcast %broadcast_in_dim3A_55 : i32 to vector<16xi32>
    %add3A_57 = arith.constant 16384 : i32
    %add3A_58 = arith.addi %add3A_4, %add3A_57 : i32
    %dma_start3A_59 = tpu.memref_slice %arg2[%add3A_58] : memref<4194304xf32, #tpu.memory_space<hbm>> -> memref<16384xf32, #tpu.memory_space<hbm>>
    %dma_start3A_60 = tpu.memref_slice %arg2[%add3A_58] : memref<4194304xf32, #tpu.memory_space<hbm>> -> memref<16384xf32, #tpu.memory_space<hbm>>
    tpu.enqueue_dma source(%dma_start3A_60 : memref<16384xf32, #tpu.memory_space<hbm>>) target(%arg6 : memref<16384xf32, #tpu.memory_space<vmem>>) target_semaphore(%arg11 : memref<!tpu.dma_semaphore, #tpu.memory_space<semaphore_mem>>)
    %dma_start3A_61 = tpu.memref_slice %arg3[%add3A_58] : memref<4194304xi32, #tpu.memory_space<hbm>> -> memref<16384xi32, #tpu.memory_space<hbm>>
    %dma_start3A_62 = tpu.memref_slice %arg3[%add3A_58] : memref<4194304xi32, #tpu.memory_space<hbm>> -> memref<16384xi32, #tpu.memory_space<hbm>>
    tpu.enqueue_dma source(%dma_start3A_62 : memref<16384xi32, #tpu.memory_space<hbm>>) target(%arg8 : memref<16384xi32, #tpu.memory_space<vmem>>) target_semaphore(%arg11 : memref<!tpu.dma_semaphore, #tpu.memory_space<semaphore_mem>>)
    %dma_wait3A = tpu.memref_slice %arg2[%add3A_6] : memref<4194304xf32, #tpu.memory_space<hbm>> -> memref<16384xf32, #tpu.memory_space<hbm>>
    %dma_wait3A_63 = tpu.memref_slice %arg2[%add3A_6] : memref<4194304xf32, #tpu.memory_space<hbm>> -> memref<16384xf32, #tpu.memory_space<hbm>>
    tpu.wait_dma2 semaphore(%arg10 : memref<!tpu.dma_semaphore, #tpu.memory_space<semaphore_mem>>) src(%dma_wait3A_63 : memref<16384xf32, #tpu.memory_space<hbm>>) dst(%arg5 : memref<16384xf32, #tpu.memory_space<vmem>>)
    %dma_wait3A_64 = tpu.memref_slice %arg3[%add3A_6] : memref<4194304xi32, #tpu.memory_space<hbm>> -> memref<16384xi32, #tpu.memory_space<hbm>>
    %dma_wait3A_65 = tpu.memref_slice %arg3[%add3A_6] : memref<4194304xi32, #tpu.memory_space<hbm>> -> memref<16384xi32, #tpu.memory_space<hbm>>
    tpu.wait_dma2 semaphore(%arg10 : memref<!tpu.dma_semaphore, #tpu.memory_space<semaphore_mem>>) src(%dma_wait3A_65 : memref<16384xi32, #tpu.memory_space<hbm>>) dst(%arg7 : memref<16384xi32, #tpu.memory_space<vmem>>)
    %parallel_loop3A = arith.constant 0 : i32
    %parallel_loop3A_66 = arith.constant 16384 : i32
    %parallel_loop3A_67 = arith.constant 128 : i32
    %parallel_loop3A_68:24 = scf.for %parallel_loop3A_110 = %parallel_loop3A to %parallel_loop3A_66 step %parallel_loop3A_67 iter_args(%parallel_loop3A_111 = %broadcast_in_dim3A_10, %parallel_loop3A_112 = %broadcast_in_dim3A_12, %parallel_loop3A_113 = %broadcast_in_dim3A_14, %parallel_loop3A_114 = %broadcast_in_dim3A_16, %parallel_loop3A_115 = %broadcast_in_dim3A_18, %parallel_loop3A_116 = %broadcast_in_dim3A_20, %parallel_loop3A_117 = %broadcast_in_dim3A_22, %parallel_loop3A_118 = %broadcast_in_dim3A_24, %parallel_loop3A_119 = %broadcast_in_dim3A_26, %parallel_loop3A_120 = %broadcast_in_dim3A_28, %parallel_loop3A_121 = %broadcast_in_dim3A_30, %parallel_loop3A_122 = %broadcast_in_dim3A_32, %parallel_loop3A_123 = %broadcast_in_dim3A_34, %parallel_loop3A_124 = %broadcast_in_dim3A_36, %parallel_loop3A_125 = %broadcast_in_dim3A_38, %parallel_loop3A_126 = %broadcast_in_dim3A_40, %parallel_loop3A_127 = %broadcast_in_dim3A_42, %parallel_loop3A_128 = %broadcast_in_dim3A_44, %parallel_loop3A_129 = %broadcast_in_dim3A_46, %parallel_loop3A_130 = %broadcast_in_dim3A_48, %parallel_loop3A_131 = %broadcast_in_dim3A_50, %parallel_loop3A_132 = %broadcast_in_dim3A_52, %parallel_loop3A_133 = %broadcast_in_dim3A_54, %parallel_loop3A_134 = %broadcast_in_dim3A_56) -> (vector<16xf32>, vector<16xf32>, vector<16xf32>, vector<16xf32>, vector<16xf32>, vector<16xf32>, vector<16xf32>, vector<16xf32>, vector<16xf32>, vector<16xf32>, vector<16xf32>, vector<16xf32>, vector<16xf32>, vector<16xf32>, vector<16xf32>, vector<16xf32>, vector<16xi32>, vector<16xi32>, vector<16xi32>, vector<16xi32>, vector<16xi32>, vector<16xi32>, vector<16xi32>, vector<16xi32>)  : i32 {
      %parallel_loop3A_135 = arith.constant 0 : i32
      %parallel_loop3A_136 = arith.addi %parallel_loop3A_110, %parallel_loop3A_135 : i32
      %parallel_loop3A_137 = arith.index_cast %parallel_loop3A_136 : i32 to index
      %parallel_loop3A_138 = tpu.vector_load %arg5[%parallel_loop3A_137] {strides = array<i32>} : memref<16384xf32, #tpu.memory_space<vmem>>, vector<16xf32>,
      %parallel_loop3A_139 = vector.shape_cast %parallel_loop3A_138 : vector<16xf32> to vector<16xf32>
      %parallel_loop3A_140 = arith.constant 0 : i32
      %parallel_loop3A_141 = arith.addi %parallel_loop3A_110, %parallel_loop3A_140 : i32
      %parallel_loop3A_142 = arith.index_cast %parallel_loop3A_141 : i32 to index
      %parallel_loop3A_143 = tpu.vector_load %arg7[%parallel_loop3A_142] {strides = array<i32>} : memref<16384xi32, #tpu.memory_space<vmem>>, vector<16xi32>,
      %parallel_loop3A_144 = vector.shape_cast %parallel_loop3A_143 : vector<16xi32> to vector<16xi32>
      %parallel_loop3A_145 = arith.constant 0 : i32
      %parallel_loop3A_146 = vector.broadcast %parallel_loop3A_145 : i32 to vector<16xi32>
      %parallel_loop3A_147 = arith.cmpi eq, %parallel_loop3A_144, %parallel_loop3A_146 : vector<16xi32>
      %parallel_loop3A_148 = arith.constant 0xFF800000 : f32
      %parallel_loop3A_149 = vector.broadcast %parallel_loop3A_148 : f32 to vector<16xf32>
      %parallel_loop3A_150 = arith.select %parallel_loop3A_147, %parallel_loop3A_139, %parallel_loop3A_149 : vector<16xi1>, vector<16xf32>
      %parallel_loop3A_151 = arith.maximumf %parallel_loop3A_111, %parallel_loop3A_150 : vector<16xf32>
      %parallel_loop3A_152 = arith.constant 0.000000e+00 : f32
      %parallel_loop3A_153 = vector.broadcast %parallel_loop3A_152 : f32 to vector<16xf32>
      %parallel_loop3A_154 = arith.select %parallel_loop3A_147, %parallel_loop3A_139, %parallel_loop3A_153 : vector<16xi1>, vector<16xf32>
      %parallel_loop3A_155 = arith.addf %parallel_loop3A_119, %parallel_loop3A_154 : vector<16xf32>
      %parallel_loop3A_156 = arith.addi %parallel_loop3A_127, %parallel_loop3A_144 : vector<16xi32>
      %parallel_loop3A_157 = arith.constant 16 : i32
      %parallel_loop3A_158 = arith.addi %parallel_loop3A_110, %parallel_loop3A_157 : i32
      %parallel_loop3A_159 = arith.index_cast %parallel_loop3A_158 : i32 to index
      %parallel_loop3A_160 = tpu.vector_load %arg5[%parallel_loop3A_159] {strides = array<i32>} : memref<16384xf32, #tpu.memory_space<vmem>>, vector<16xf32>,
      %parallel_loop3A_161 = vector.shape_cast %parallel_loop3A_160 : vector<16xf32> to vector<16xf32>
      %parallel_loop3A_162 = arith.constant 16 : i32
      %parallel_loop3A_163 = arith.addi %parallel_loop3A_110, %parallel_loop3A_162 : i32
      %parallel_loop3A_164 = arith.index_cast %parallel_loop3A_163 : i32 to index
      %parallel_loop3A_165 = tpu.vector_load %arg7[%parallel_loop3A_164] {strides = array<i32>} : memref<16384xi32, #tpu.memory_space<vmem>>, vector<16xi32>,
      %parallel_loop3A_166 = vector.shape_cast %parallel_loop3A_165 : vector<16xi32> to vector<16xi32>
      %parallel_loop3A_167 = arith.constant 0 : i32
      %parallel_loop3A_168 = vector.broadcast %parallel_loop3A_167 : i32 to vector<16xi32>
      %parallel_loop3A_169 = arith.cmpi eq, %parallel_loop3A_166, %parallel_loop3A_168 : vector<16xi32>
      %parallel_loop3A_170 = arith.constant 0xFF800000 : f32
      %parallel_loop3A_171 = vector.broadcast %parallel_loop3A_170 : f32 to vector<16xf32>
      %parallel_loop3A_172 = arith.select %parallel_loop3A_169, %parallel_loop3A_161, %parallel_loop3A_171 : vector<16xi1>, vector<16xf32>
      %parallel_loop3A_173 = arith.maximumf %parallel_loop3A_112, %parallel_loop3A_172 : vector<16xf32>
      %parallel_loop3A_174 = arith.constant 0.000000e+00 : f32
      %parallel_loop3A_175 = vector.broadcast %parallel_loop3A_174 : f32 to vector<16xf32>
      %parallel_loop3A_176 = arith.select %parallel_loop3A_169, %parallel_loop3A_161, %parallel_loop3A_175 : vector<16xi1>, vector<16xf32>
      %parallel_loop3A_177 = arith.addf %parallel_loop3A_120, %parallel_loop3A_176 : vector<16xf32>
      %parallel_loop3A_178 = arith.addi %parallel_loop3A_128, %parallel_loop3A_166 : vector<16xi32>
      %parallel_loop3A_179 = arith.constant 32 : i32
      %parallel_loop3A_180 = arith.addi %parallel_loop3A_110, %parallel_loop3A_179 : i32
      %parallel_loop3A_181 = arith.index_cast %parallel_loop3A_180 : i32 to index
      %parallel_loop3A_182 = tpu.vector_load %arg5[%parallel_loop3A_181] {strides = array<i32>} : memref<16384xf32, #tpu.memory_space<vmem>>, vector<16xf32>,
      %parallel_loop3A_183 = vector.shape_cast %parallel_loop3A_182 : vector<16xf32> to vector<16xf32>
      %parallel_loop3A_184 = arith.constant 32 : i32
      %parallel_loop3A_185 = arith.addi %parallel_loop3A_110, %parallel_loop3A_184 : i32
      %parallel_loop3A_186 = arith.index_cast %parallel_loop3A_185 : i32 to index
      %parallel_loop3A_187 = tpu.vector_load %arg7[%parallel_loop3A_186] {strides = array<i32>} : memref<16384xi32, #tpu.memory_space<vmem>>, vector<16xi32>,
      %parallel_loop3A_188 = vector.shape_cast %parallel_loop3A_187 : vector<16xi32> to vector<16xi32>
      %parallel_loop3A_189 = arith.constant 0 : i32
      %parallel_loop3A_190 = vector.broadcast %parallel_loop3A_189 : i32 to vector<16xi32>
      %parallel_loop3A_191 = arith.cmpi eq, %parallel_loop3A_188, %parallel_loop3A_190 : vector<16xi32>
      %parallel_loop3A_192 = arith.constant 0xFF800000 : f32
      %parallel_loop3A_193 = vector.broadcast %parallel_loop3A_192 : f32 to vector<16xf32>
      %parallel_loop3A_194 = arith.select %parallel_loop3A_191, %parallel_loop3A_183, %parallel_loop3A_193 : vector<16xi1>, vector<16xf32>
      %parallel_loop3A_195 = arith.maximumf %parallel_loop3A_113, %parallel_loop3A_194 : vector<16xf32>
      %parallel_loop3A_196 = arith.constant 0.000000e+00 : f32
      %parallel_loop3A_197 = vector.broadcast %parallel_loop3A_196 : f32 to vector<16xf32>
      %parallel_loop3A_198 = arith.select %parallel_loop3A_191, %parallel_loop3A_183, %parallel_loop3A_197 : vector<16xi1>, vector<16xf32>
      %parallel_loop3A_199 = arith.addf %parallel_loop3A_121, %parallel_loop3A_198 : vector<16xf32>
      %parallel_loop3A_200 = arith.addi %parallel_loop3A_129, %parallel_loop3A_188 : vector<16xi32>
      %parallel_loop3A_201 = arith.constant 48 : i32
      %parallel_loop3A_202 = arith.addi %parallel_loop3A_110, %parallel_loop3A_201 : i32
      %parallel_loop3A_203 = arith.index_cast %parallel_loop3A_202 : i32 to index
      %parallel_loop3A_204 = tpu.vector_load %arg5[%parallel_loop3A_203] {strides = array<i32>} : memref<16384xf32, #tpu.memory_space<vmem>>, vector<16xf32>,
      %parallel_loop3A_205 = vector.shape_cast %parallel_loop3A_204 : vector<16xf32> to vector<16xf32>
      %parallel_loop3A_206 = arith.constant 48 : i32
      %parallel_loop3A_207 = arith.addi %parallel_loop3A_110, %parallel_loop3A_206 : i32
      %parallel_loop3A_208 = arith.index_cast %parallel_loop3A_207 : i32 to index
      %parallel_loop3A_209 = tpu.vector_load %arg7[%parallel_loop3A_208] {strides = array<i32>} : memref<16384xi32, #tpu.memory_space<vmem>>, vector<16xi32>,
      %parallel_loop3A_210 = vector.shape_cast %parallel_loop3A_209 : vector<16xi32> to vector<16xi32>
      %parallel_loop3A_211 = arith.constant 0 : i32
      %parallel_loop3A_212 = vector.broadcast %parallel_loop3A_211 : i32 to vector<16xi32>
      %parallel_loop3A_213 = arith.cmpi eq, %parallel_loop3A_210, %parallel_loop3A_212 : vector<16xi32>
      %parallel_loop3A_214 = arith.constant 0xFF800000 : f32
      %parallel_loop3A_215 = vector.broadcast %parallel_loop3A_214 : f32 to vector<16xf32>
      %parallel_loop3A_216 = arith.select %parallel_loop3A_213, %parallel_loop3A_205, %parallel_loop3A_215 : vector<16xi1>, vector<16xf32>
      %parallel_loop3A_217 = arith.maximumf %parallel_loop3A_114, %parallel_loop3A_216 : vector<16xf32>
      %parallel_loop3A_218 = arith.constant 0.000000e+00 : f32
      %parallel_loop3A_219 = vector.broadcast %parallel_loop3A_218 : f32 to vector<16xf32>
      %parallel_loop3A_220 = arith.select %parallel_loop3A_213, %parallel_loop3A_205, %parallel_loop3A_219 : vector<16xi1>, vector<16xf32>
      %parallel_loop3A_221 = arith.addf %parallel_loop3A_122, %parallel_loop3A_220 : vector<16xf32>
      %parallel_loop3A_222 = arith.addi %parallel_loop3A_130, %parallel_loop3A_210 : vector<16xi32>
      %parallel_loop3A_223 = arith.constant 64 : i32
      %parallel_loop3A_224 = arith.addi %parallel_loop3A_110, %parallel_loop3A_223 : i32
      %parallel_loop3A_225 = arith.index_cast %parallel_loop3A_224 : i32 to index
      %parallel_loop3A_226 = tpu.vector_load %arg5[%parallel_loop3A_225] {strides = array<i32>} : memref<16384xf32, #tpu.memory_space<vmem>>, vector<16xf32>,
      %parallel_loop3A_227 = vector.shape_cast %parallel_loop3A_226 : vector<16xf32> to vector<16xf32>
      %parallel_loop3A_228 = arith.constant 64 : i32
      %parallel_loop3A_229 = arith.addi %parallel_loop3A_110, %parallel_loop3A_228 : i32
      %parallel_loop3A_230 = arith.index_cast %parallel_loop3A_229 : i32 to index
      %parallel_loop3A_231 = tpu.vector_load %arg7[%parallel_loop3A_230] {strides = array<i32>} : memref<16384xi32, #tpu.memory_space<vmem>>, vector<16xi32>,
      %parallel_loop3A_232 = vector.shape_cast %parallel_loop3A_231 : vector<16xi32> to vector<16xi32>
      %parallel_loop3A_233 = arith.constant 0 : i32
      %parallel_loop3A_234 = vector.broadcast %parallel_loop3A_233 : i32 to vector<16xi32>
      %parallel_loop3A_235 = arith.cmpi eq, %parallel_loop3A_232, %parallel_loop3A_234 : vector<16xi32>
      %parallel_loop3A_236 = arith.constant 0xFF800000 : f32
      %parallel_loop3A_237 = vector.broadcast %parallel_loop3A_236 : f32 to vector<16xf32>
      %parallel_loop3A_238 = arith.select %parallel_loop3A_235, %parallel_loop3A_227, %parallel_loop3A_237 : vector<16xi1>, vector<16xf32>
      %parallel_loop3A_239 = arith.maximumf %parallel_loop3A_115, %parallel_loop3A_238 : vector<16xf32>
      %parallel_loop3A_240 = arith.constant 0.000000e+00 : f32
      %parallel_loop3A_241 = vector.broadcast %parallel_loop3A_240 : f32 to vector<16xf32>
      %parallel_loop3A_242 = arith.select %parallel_loop3A_235, %parallel_loop3A_227, %parallel_loop3A_241 : vector<16xi1>, vector<16xf32>
      %parallel_loop3A_243 = arith.addf %parallel_loop3A_123, %parallel_loop3A_242 : vector<16xf32>
      %parallel_loop3A_244 = arith.addi %parallel_loop3A_131, %parallel_loop3A_232 : vector<16xi32>
      %parallel_loop3A_245 = arith.constant 80 : i32
      %parallel_loop3A_246 = arith.addi %parallel_loop3A_110, %parallel_loop3A_245 : i32
      %parallel_loop3A_247 = arith.index_cast %parallel_loop3A_246 : i32 to index
      %parallel_loop3A_248 = tpu.vector_load %arg5[%parallel_loop3A_247] {strides = array<i32>} : memref<16384xf32, #tpu.memory_space<vmem>>, vector<16xf32>,
      %parallel_loop3A_249 = vector.shape_cast %parallel_loop3A_248 : vector<16xf32> to vector<16xf32>
      %parallel_loop3A_250 = arith.constant 80 : i32
      %parallel_loop3A_251 = arith.addi %parallel_loop3A_110, %parallel_loop3A_250 : i32
      %parallel_loop3A_252 = arith.index_cast %parallel_loop3A_251 : i32 to index
      %parallel_loop3A_253 = tpu.vector_load %arg7[%parallel_loop3A_252] {strides = array<i32>} : memref<16384xi32, #tpu.memory_space<vmem>>, vector<16xi32>,
      %parallel_loop3A_254 = vector.shape_cast %parallel_loop3A_253 : vector<16xi32> to vector<16xi32>
      %parallel_loop3A_255 = arith.constant 0 : i32
      %parallel_loop3A_256 = vector.broadcast %parallel_loop3A_255 : i32 to vector<16xi32>
      %parallel_loop3A_257 = arith.cmpi eq, %parallel_loop3A_254, %parallel_loop3A_256 : vector<16xi32>
      %parallel_loop3A_258 = arith.constant 0xFF800000 : f32
      %parallel_loop3A_259 = vector.broadcast %parallel_loop3A_258 : f32 to vector<16xf32>
      %parallel_loop3A_260 = arith.select %parallel_loop3A_257, %parallel_loop3A_249, %parallel_loop3A_259 : vector<16xi1>, vector<16xf32>
      %parallel_loop3A_261 = arith.maximumf %parallel_loop3A_116, %parallel_loop3A_260 : vector<16xf32>
      %parallel_loop3A_262 = arith.constant 0.000000e+00 : f32
      %parallel_loop3A_263 = vector.broadcast %parallel_loop3A_262 : f32 to vector<16xf32>
      %parallel_loop3A_264 = arith.select %parallel_loop3A_257, %parallel_loop3A_249, %parallel_loop3A_263 : vector<16xi1>, vector<16xf32>
      %parallel_loop3A_265 = arith.addf %parallel_loop3A_124, %parallel_loop3A_264 : vector<16xf32>
      %parallel_loop3A_266 = arith.addi %parallel_loop3A_132, %parallel_loop3A_254 : vector<16xi32>
      %parallel_loop3A_267 = arith.constant 96 : i32
      %parallel_loop3A_268 = arith.addi %parallel_loop3A_110, %parallel_loop3A_267 : i32
      %parallel_loop3A_269 = arith.index_cast %parallel_loop3A_268 : i32 to index
      %parallel_loop3A_270 = tpu.vector_load %arg5[%parallel_loop3A_269] {strides = array<i32>} : memref<16384xf32, #tpu.memory_space<vmem>>, vector<16xf32>,
      %parallel_loop3A_271 = vector.shape_cast %parallel_loop3A_270 : vector<16xf32> to vector<16xf32>
      %parallel_loop3A_272 = arith.constant 96 : i32
      %parallel_loop3A_273 = arith.addi %parallel_loop3A_110, %parallel_loop3A_272 : i32
      %parallel_loop3A_274 = arith.index_cast %parallel_loop3A_273 : i32 to index
      %parallel_loop3A_275 = tpu.vector_load %arg7[%parallel_loop3A_274] {strides = array<i32>} : memref<16384xi32, #tpu.memory_space<vmem>>, vector<16xi32>,
      %parallel_loop3A_276 = vector.shape_cast %parallel_loop3A_275 : vector<16xi32> to vector<16xi32>
      %parallel_loop3A_277 = arith.constant 0 : i32
      %parallel_loop3A_278 = vector.broadcast %parallel_loop3A_277 : i32 to vector<16xi32>
      %parallel_loop3A_279 = arith.cmpi eq, %parallel_loop3A_276, %parallel_loop3A_278 : vector<16xi32>
      %parallel_loop3A_280 = arith.constant 0xFF800000 : f32
      %parallel_loop3A_281 = vector.broadcast %parallel_loop3A_280 : f32 to vector<16xf32>
      %parallel_loop3A_282 = arith.select %parallel_loop3A_279, %parallel_loop3A_271, %parallel_loop3A_281 : vector<16xi1>, vector<16xf32>
      %parallel_loop3A_283 = arith.maximumf %parallel_loop3A_117, %parallel_loop3A_282 : vector<16xf32>
      %parallel_loop3A_284 = arith.constant 0.000000e+00 : f32
      %parallel_loop3A_285 = vector.broadcast %parallel_loop3A_284 : f32 to vector<16xf32>
      %parallel_loop3A_286 = arith.select %parallel_loop3A_279, %parallel_loop3A_271, %parallel_loop3A_285 : vector<16xi1>, vector<16xf32>
      %parallel_loop3A_287 = arith.addf %parallel_loop3A_125, %parallel_loop3A_286 : vector<16xf32>
      %parallel_loop3A_288 = arith.addi %parallel_loop3A_133, %parallel_loop3A_276 : vector<16xi32>
      %parallel_loop3A_289 = arith.constant 112 : i32
      %parallel_loop3A_290 = arith.addi %parallel_loop3A_110, %parallel_loop3A_289 : i32
      %parallel_loop3A_291 = arith.index_cast %parallel_loop3A_290 : i32 to index
      %parallel_loop3A_292 = tpu.vector_load %arg5[%parallel_loop3A_291] {strides = array<i32>} : memref<16384xf32, #tpu.memory_space<vmem>>, vector<16xf32>,
      %parallel_loop3A_293 = vector.shape_cast %parallel_loop3A_292 : vector<16xf32> to vector<16xf32>
      %parallel_loop3A_294 = arith.constant 112 : i32
      %parallel_loop3A_295 = arith.addi %parallel_loop3A_110, %parallel_loop3A_294 : i32
      %parallel_loop3A_296 = arith.index_cast %parallel_loop3A_295 : i32 to index
      %parallel_loop3A_297 = tpu.vector_load %arg7[%parallel_loop3A_296] {strides = array<i32>} : memref<16384xi32, #tpu.memory_space<vmem>>, vector<16xi32>,
      %parallel_loop3A_298 = vector.shape_cast %parallel_loop3A_297 : vector<16xi32> to vector<16xi32>
      %parallel_loop3A_299 = arith.constant 0 : i32
      %parallel_loop3A_300 = vector.broadcast %parallel_loop3A_299 : i32 to vector<16xi32>
      %parallel_loop3A_301 = arith.cmpi eq, %parallel_loop3A_298, %parallel_loop3A_300 : vector<16xi32>
      %parallel_loop3A_302 = arith.constant 0xFF800000 : f32
      %parallel_loop3A_303 = vector.broadcast %parallel_loop3A_302 : f32 to vector<16xf32>
      %parallel_loop3A_304 = arith.select %parallel_loop3A_301, %parallel_loop3A_293, %parallel_loop3A_303 : vector<16xi1>, vector<16xf32>
      %parallel_loop3A_305 = arith.maximumf %parallel_loop3A_118, %parallel_loop3A_304 : vector<16xf32>
      %parallel_loop3A_306 = arith.constant 0.000000e+00 : f32
      %parallel_loop3A_307 = vector.broadcast %parallel_loop3A_306 : f32 to vector<16xf32>
      %parallel_loop3A_308 = arith.select %parallel_loop3A_301, %parallel_loop3A_293, %parallel_loop3A_307 : vector<16xi1>, vector<16xf32>
      %parallel_loop3A_309 = arith.addf %parallel_loop3A_126, %parallel_loop3A_308 : vector<16xf32>
      %parallel_loop3A_310 = arith.addi %parallel_loop3A_134, %parallel_loop3A_298 : vector<16xi32>
      scf.yield %parallel_loop3A_151, %parallel_loop3A_173, %parallel_loop3A_195, %parallel_loop3A_217, %parallel_loop3A_239, %parallel_loop3A_261, %parallel_loop3A_283, %parallel_loop3A_305, %parallel_loop3A_155, %parallel_loop3A_177, %parallel_loop3A_199, %parallel_loop3A_221, %parallel_loop3A_243, %parallel_loop3A_265, %parallel_loop3A_287, %parallel_loop3A_309, %parallel_loop3A_156, %parallel_loop3A_178, %parallel_loop3A_200, %parallel_loop3A_222, %parallel_loop3A_244, %parallel_loop3A_266, %parallel_loop3A_288, %parallel_loop3A_310 : vector<16xf32>, vector<16xf32>, vector<16xf32>, vector<16xf32>, vector<16xf32>, vector<16xf32>, vector<16xf32>, vector<16xf32>, vector<16xf32>, vector<16xf32>, vector<16xf32>, vector<16xf32>, vector<16xf32>, vector<16xf32>, vector<16xf32>, vector<16xf32>, vector<16xi32>, vector<16xi32>, vector<16xi32>, vector<16xi32>, vector<16xi32>, vector<16xi32>, vector<16xi32>, vector<16xi32>
    } {sc.loop_unroll_factor = 1 : i64, sc.parallel_access}
    %dma_wait3A_69 = tpu.memref_slice %arg2[%add3A_58] : memref<4194304xf32, #tpu.memory_space<hbm>> -> memref<16384xf32, #tpu.memory_space<hbm>>
    %dma_wait3A_70 = tpu.memref_slice %arg2[%add3A_58] : memref<4194304xf32, #tpu.memory_space<hbm>> -> memref<16384xf32, #tpu.memory_space<hbm>>
    tpu.wait_dma2 semaphore(%arg11 : memref<!tpu.dma_semaphore, #tpu.memory_space<semaphore_mem>>) src(%dma_wait3A_70 : memref<16384xf32, #tpu.memory_space<hbm>>) dst(%arg6 : memref<16384xf32, #tpu.memory_space<vmem>>)
    %dma_wait3A_71 = tpu.memref_slice %arg3[%add3A_58] : memref<4194304xi32, #tpu.memory_space<hbm>> -> memref<16384xi32, #tpu.memory_space<hbm>>
    %dma_wait3A_72 = tpu.memref_slice %arg3[%add3A_58] : memref<4194304xi32, #tpu.memory_space<hbm>> -> memref<16384xi32, #tpu.memory_space<hbm>>
    tpu.wait_dma2 semaphore(%arg11 : memref<!tpu.dma_semaphore, #tpu.memory_space<semaphore_mem>>) src(%dma_wait3A_72 : memref<16384xi32, #tpu.memory_space<hbm>>) dst(%arg8 : memref<16384xi32, #tpu.memory_space<vmem>>)
    %parallel_loop3A_73 = arith.constant 0 : i32
    %parallel_loop3A_74 = arith.constant 16384 : i32
    %parallel_loop3A_75 = arith.constant 128 : i32
    %parallel_loop3A_76:24 = scf.for %parallel_loop3A_110 = %parallel_loop3A_73 to %parallel_loop3A_74 step %parallel_loop3A_75 iter_args(%parallel_loop3A_111 = %parallel_loop3A_68#0, %parallel_loop3A_112 = %parallel_loop3A_68#1, %parallel_loop3A_113 = %parallel_loop3A_68#2, %parallel_loop3A_114 = %parallel_loop3A_68#3, %parallel_loop3A_115 = %parallel_loop3A_68#4, %parallel_loop3A_116 = %parallel_loop3A_68#5, %parallel_loop3A_117 = %parallel_loop3A_68#6, %parallel_loop3A_118 = %parallel_loop3A_68#7, %parallel_loop3A_119 = %parallel_loop3A_68#8, %parallel_loop3A_120 = %parallel_loop3A_68#9, %parallel_loop3A_121 = %parallel_loop3A_68#10, %parallel_loop3A_122 = %parallel_loop3A_68#11, %parallel_loop3A_123 = %parallel_loop3A_68#12, %parallel_loop3A_124 = %parallel_loop3A_68#13, %parallel_loop3A_125 = %parallel_loop3A_68#14, %parallel_loop3A_126 = %parallel_loop3A_68#15, %parallel_loop3A_127 = %parallel_loop3A_68#16, %parallel_loop3A_128 = %parallel_loop3A_68#17, %parallel_loop3A_129 = %parallel_loop3A_68#18, %parallel_loop3A_130 = %parallel_loop3A_68#19, %parallel_loop3A_131 = %parallel_loop3A_68#20, %parallel_loop3A_132 = %parallel_loop3A_68#21, %parallel_loop3A_133 = %parallel_loop3A_68#22, %parallel_loop3A_134 = %parallel_loop3A_68#23) -> (vector<16xf32>, vector<16xf32>, vector<16xf32>, vector<16xf32>, vector<16xf32>, vector<16xf32>, vector<16xf32>, vector<16xf32>, vector<16xf32>, vector<16xf32>, vector<16xf32>, vector<16xf32>, vector<16xf32>, vector<16xf32>, vector<16xf32>, vector<16xf32>, vector<16xi32>, vector<16xi32>, vector<16xi32>, vector<16xi32>, vector<16xi32>, vector<16xi32>, vector<16xi32>, vector<16xi32>)  : i32 {
      %parallel_loop3A_135 = arith.constant 0 : i32
      %parallel_loop3A_136 = arith.addi %parallel_loop3A_110, %parallel_loop3A_135 : i32
      %parallel_loop3A_137 = arith.index_cast %parallel_loop3A_136 : i32 to index
      %parallel_loop3A_138 = tpu.vector_load %arg6[%parallel_loop3A_137] {strides = array<i32>} : memref<16384xf32, #tpu.memory_space<vmem>>, vector<16xf32>,
      %parallel_loop3A_139 = vector.shape_cast %parallel_loop3A_138 : vector<16xf32> to vector<16xf32>
      %parallel_loop3A_140 = arith.constant 0 : i32
      %parallel_loop3A_141 = arith.addi %parallel_loop3A_110, %parallel_loop3A_140 : i32
      %parallel_loop3A_142 = arith.index_cast %parallel_loop3A_141 : i32 to index
      %parallel_loop3A_143 = tpu.vector_load %arg8[%parallel_loop3A_142] {strides = array<i32>} : memref<16384xi32, #tpu.memory_space<vmem>>, vector<16xi32>,
      %parallel_loop3A_144 = vector.shape_cast %parallel_loop3A_143 : vector<16xi32> to vector<16xi32>
      %parallel_loop3A_145 = arith.constant 0 : i32
      %parallel_loop3A_146 = vector.broadcast %parallel_loop3A_145 : i32 to vector<16xi32>
      %parallel_loop3A_147 = arith.cmpi eq, %parallel_loop3A_144, %parallel_loop3A_146 : vector<16xi32>
      %parallel_loop3A_148 = arith.constant 0xFF800000 : f32
      %parallel_loop3A_149 = vector.broadcast %parallel_loop3A_148 : f32 to vector<16xf32>
      %parallel_loop3A_150 = arith.select %parallel_loop3A_147, %parallel_loop3A_139, %parallel_loop3A_149 : vector<16xi1>, vector<16xf32>
      %parallel_loop3A_151 = arith.maximumf %parallel_loop3A_111, %parallel_loop3A_150 : vector<16xf32>
      %parallel_loop3A_152 = arith.constant 0.000000e+00 : f32
      %parallel_loop3A_153 = vector.broadcast %parallel_loop3A_152 : f32 to vector<16xf32>
      %parallel_loop3A_154 = arith.select %parallel_loop3A_147, %parallel_loop3A_139, %parallel_loop3A_153 : vector<16xi1>, vector<16xf32>
      %parallel_loop3A_155 = arith.addf %parallel_loop3A_119, %parallel_loop3A_154 : vector<16xf32>
      %parallel_loop3A_156 = arith.addi %parallel_loop3A_127, %parallel_loop3A_144 : vector<16xi32>
      %parallel_loop3A_157 = arith.constant 16 : i32
      %parallel_loop3A_158 = arith.addi %parallel_loop3A_110, %parallel_loop3A_157 : i32
      %parallel_loop3A_159 = arith.index_cast %parallel_loop3A_158 : i32 to index
      %parallel_loop3A_160 = tpu.vector_load %arg6[%parallel_loop3A_159] {strides = array<i32>} : memref<16384xf32, #tpu.memory_space<vmem>>, vector<16xf32>,
      %parallel_loop3A_161 = vector.shape_cast %parallel_loop3A_160 : vector<16xf32> to vector<16xf32>
      %parallel_loop3A_162 = arith.constant 16 : i32
      %parallel_loop3A_163 = arith.addi %parallel_loop3A_110, %parallel_loop3A_162 : i32
      %parallel_loop3A_164 = arith.index_cast %parallel_loop3A_163 : i32 to index
      %parallel_loop3A_165 = tpu.vector_load %arg8[%parallel_loop3A_164] {strides = array<i32>} : memref<16384xi32, #tpu.memory_space<vmem>>, vector<16xi32>,
      %parallel_loop3A_166 = vector.shape_cast %parallel_loop3A_165 : vector<16xi32> to vector<16xi32>
      %parallel_loop3A_167 = arith.constant 0 : i32
      %parallel_loop3A_168 = vector.broadcast %parallel_loop3A_167 : i32 to vector<16xi32>
      %parallel_loop3A_169 = arith.cmpi eq, %parallel_loop3A_166, %parallel_loop3A_168 : vector<16xi32>
      %parallel_loop3A_170 = arith.constant 0xFF800000 : f32
      %parallel_loop3A_171 = vector.broadcast %parallel_loop3A_170 : f32 to vector<16xf32>
      %parallel_loop3A_172 = arith.select %parallel_loop3A_169, %parallel_loop3A_161, %parallel_loop3A_171 : vector<16xi1>, vector<16xf32>
      %parallel_loop3A_173 = arith.maximumf %parallel_loop3A_112, %parallel_loop3A_172 : vector<16xf32>
      %parallel_loop3A_174 = arith.constant 0.000000e+00 : f32
      %parallel_loop3A_175 = vector.broadcast %parallel_loop3A_174 : f32 to vector<16xf32>
      %parallel_loop3A_176 = arith.select %parallel_loop3A_169, %parallel_loop3A_161, %parallel_loop3A_175 : vector<16xi1>, vector<16xf32>
      %parallel_loop3A_177 = arith.addf %parallel_loop3A_120, %parallel_loop3A_176 : vector<16xf32>
      %parallel_loop3A_178 = arith.addi %parallel_loop3A_128, %parallel_loop3A_166 : vector<16xi32>
      %parallel_loop3A_179 = arith.constant 32 : i32
      %parallel_loop3A_180 = arith.addi %parallel_loop3A_110, %parallel_loop3A_179 : i32
      %parallel_loop3A_181 = arith.index_cast %parallel_loop3A_180 : i32 to index
      %parallel_loop3A_182 = tpu.vector_load %arg6[%parallel_loop3A_181] {strides = array<i32>} : memref<16384xf32, #tpu.memory_space<vmem>>, vector<16xf32>,
      %parallel_loop3A_183 = vector.shape_cast %parallel_loop3A_182 : vector<16xf32> to vector<16xf32>
      %parallel_loop3A_184 = arith.constant 32 : i32
      %parallel_loop3A_185 = arith.addi %parallel_loop3A_110, %parallel_loop3A_184 : i32
      %parallel_loop3A_186 = arith.index_cast %parallel_loop3A_185 : i32 to index
      %parallel_loop3A_187 = tpu.vector_load %arg8[%parallel_loop3A_186] {strides = array<i32>} : memref<16384xi32, #tpu.memory_space<vmem>>, vector<16xi32>,
      %parallel_loop3A_188 = vector.shape_cast %parallel_loop3A_187 : vector<16xi32> to vector<16xi32>
      %parallel_loop3A_189 = arith.constant 0 : i32
      %parallel_loop3A_190 = vector.broadcast %parallel_loop3A_189 : i32 to vector<16xi32>
      %parallel_loop3A_191 = arith.cmpi eq, %parallel_loop3A_188, %parallel_loop3A_190 : vector<16xi32>
      %parallel_loop3A_192 = arith.constant 0xFF800000 : f32
      %parallel_loop3A_193 = vector.broadcast %parallel_loop3A_192 : f32 to vector<16xf32>
      %parallel_loop3A_194 = arith.select %parallel_loop3A_191, %parallel_loop3A_183, %parallel_loop3A_193 : vector<16xi1>, vector<16xf32>
      %parallel_loop3A_195 = arith.maximumf %parallel_loop3A_113, %parallel_loop3A_194 : vector<16xf32>
      %parallel_loop3A_196 = arith.constant 0.000000e+00 : f32
      %parallel_loop3A_197 = vector.broadcast %parallel_loop3A_196 : f32 to vector<16xf32>
      %parallel_loop3A_198 = arith.select %parallel_loop3A_191, %parallel_loop3A_183, %parallel_loop3A_197 : vector<16xi1>, vector<16xf32>
      %parallel_loop3A_199 = arith.addf %parallel_loop3A_121, %parallel_loop3A_198 : vector<16xf32>
      %parallel_loop3A_200 = arith.addi %parallel_loop3A_129, %parallel_loop3A_188 : vector<16xi32>
      %parallel_loop3A_201 = arith.constant 48 : i32
      %parallel_loop3A_202 = arith.addi %parallel_loop3A_110, %parallel_loop3A_201 : i32
      %parallel_loop3A_203 = arith.index_cast %parallel_loop3A_202 : i32 to index
      %parallel_loop3A_204 = tpu.vector_load %arg6[%parallel_loop3A_203] {strides = array<i32>} : memref<16384xf32, #tpu.memory_space<vmem>>, vector<16xf32>,
      %parallel_loop3A_205 = vector.shape_cast %parallel_loop3A_204 : vector<16xf32> to vector<16xf32>
      %parallel_loop3A_206 = arith.constant 48 : i32
      %parallel_loop3A_207 = arith.addi %parallel_loop3A_110, %parallel_loop3A_206 : i32
      %parallel_loop3A_208 = arith.index_cast %parallel_loop3A_207 : i32 to index
      %parallel_loop3A_209 = tpu.vector_load %arg8[%parallel_loop3A_208] {strides = array<i32>} : memref<16384xi32, #tpu.memory_space<vmem>>, vector<16xi32>,
      %parallel_loop3A_210 = vector.shape_cast %parallel_loop3A_209 : vector<16xi32> to vector<16xi32>
      %parallel_loop3A_211 = arith.constant 0 : i32
      %parallel_loop3A_212 = vector.broadcast %parallel_loop3A_211 : i32 to vector<16xi32>
      %parallel_loop3A_213 = arith.cmpi eq, %parallel_loop3A_210, %parallel_loop3A_212 : vector<16xi32>
      %parallel_loop3A_214 = arith.constant 0xFF800000 : f32
      %parallel_loop3A_215 = vector.broadcast %parallel_loop3A_214 : f32 to vector<16xf32>
      %parallel_loop3A_216 = arith.select %parallel_loop3A_213, %parallel_loop3A_205, %parallel_loop3A_215 : vector<16xi1>, vector<16xf32>
      %parallel_loop3A_217 = arith.maximumf %parallel_loop3A_114, %parallel_loop3A_216 : vector<16xf32>
      %parallel_loop3A_218 = arith.constant 0.000000e+00 : f32
      %parallel_loop3A_219 = vector.broadcast %parallel_loop3A_218 : f32 to vector<16xf32>
      %parallel_loop3A_220 = arith.select %parallel_loop3A_213, %parallel_loop3A_205, %parallel_loop3A_219 : vector<16xi1>, vector<16xf32>
      %parallel_loop3A_221 = arith.addf %parallel_loop3A_122, %parallel_loop3A_220 : vector<16xf32>
      %parallel_loop3A_222 = arith.addi %parallel_loop3A_130, %parallel_loop3A_210 : vector<16xi32>
      %parallel_loop3A_223 = arith.constant 64 : i32
      %parallel_loop3A_224 = arith.addi %parallel_loop3A_110, %parallel_loop3A_223 : i32
      %parallel_loop3A_225 = arith.index_cast %parallel_loop3A_224 : i32 to index
      %parallel_loop3A_226 = tpu.vector_load %arg6[%parallel_loop3A_225] {strides = array<i32>} : memref<16384xf32, #tpu.memory_space<vmem>>, vector<16xf32>,
      %parallel_loop3A_227 = vector.shape_cast %parallel_loop3A_226 : vector<16xf32> to vector<16xf32>
      %parallel_loop3A_228 = arith.constant 64 : i32
      %parallel_loop3A_229 = arith.addi %parallel_loop3A_110, %parallel_loop3A_228 : i32
      %parallel_loop3A_230 = arith.index_cast %parallel_loop3A_229 : i32 to index
      %parallel_loop3A_231 = tpu.vector_load %arg8[%parallel_loop3A_230] {strides = array<i32>} : memref<16384xi32, #tpu.memory_space<vmem>>, vector<16xi32>,
      %parallel_loop3A_232 = vector.shape_cast %parallel_loop3A_231 : vector<16xi32> to vector<16xi32>
      %parallel_loop3A_233 = arith.constant 0 : i32
      %parallel_loop3A_234 = vector.broadcast %parallel_loop3A_233 : i32 to vector<16xi32>
      %parallel_loop3A_235 = arith.cmpi eq, %parallel_loop3A_232, %parallel_loop3A_234 : vector<16xi32>
      %parallel_loop3A_236 = arith.constant 0xFF800000 : f32
      %parallel_loop3A_237 = vector.broadcast %parallel_loop3A_236 : f32 to vector<16xf32>
      %parallel_loop3A_238 = arith.select %parallel_loop3A_235, %parallel_loop3A_227, %parallel_loop3A_237 : vector<16xi1>, vector<16xf32>
      %parallel_loop3A_239 = arith.maximumf %parallel_loop3A_115, %parallel_loop3A_238 : vector<16xf32>
      %parallel_loop3A_240 = arith.constant 0.000000e+00 : f32
      %parallel_loop3A_241 = vector.broadcast %parallel_loop3A_240 : f32 to vector<16xf32>
      %parallel_loop3A_242 = arith.select %parallel_loop3A_235, %parallel_loop3A_227, %parallel_loop3A_241 : vector<16xi1>, vector<16xf32>
      %parallel_loop3A_243 = arith.addf %parallel_loop3A_123, %parallel_loop3A_242 : vector<16xf32>
      %parallel_loop3A_244 = arith.addi %parallel_loop3A_131, %parallel_loop3A_232 : vector<16xi32>
      %parallel_loop3A_245 = arith.constant 80 : i32
      %parallel_loop3A_246 = arith.addi %parallel_loop3A_110, %parallel_loop3A_245 : i32
      %parallel_loop3A_247 = arith.index_cast %parallel_loop3A_246 : i32 to index
      %parallel_loop3A_248 = tpu.vector_load %arg6[%parallel_loop3A_247] {strides = array<i32>} : memref<16384xf32, #tpu.memory_space<vmem>>, vector<16xf32>,
      %parallel_loop3A_249 = vector.shape_cast %parallel_loop3A_248 : vector<16xf32> to vector<16xf32>
      %parallel_loop3A_250 = arith.constant 80 : i32
      %parallel_loop3A_251 = arith.addi %parallel_loop3A_110, %parallel_loop3A_250 : i32
      %parallel_loop3A_252 = arith.index_cast %parallel_loop3A_251 : i32 to index
      %parallel_loop3A_253 = tpu.vector_load %arg8[%parallel_loop3A_252] {strides = array<i32>} : memref<16384xi32, #tpu.memory_space<vmem>>, vector<16xi32>,
      %parallel_loop3A_254 = vector.shape_cast %parallel_loop3A_253 : vector<16xi32> to vector<16xi32>
      %parallel_loop3A_255 = arith.constant 0 : i32
      %parallel_loop3A_256 = vector.broadcast %parallel_loop3A_255 : i32 to vector<16xi32>
      %parallel_loop3A_257 = arith.cmpi eq, %parallel_loop3A_254, %parallel_loop3A_256 : vector<16xi32>
      %parallel_loop3A_258 = arith.constant 0xFF800000 : f32
      %parallel_loop3A_259 = vector.broadcast %parallel_loop3A_258 : f32 to vector<16xf32>
      %parallel_loop3A_260 = arith.select %parallel_loop3A_257, %parallel_loop3A_249, %parallel_loop3A_259 : vector<16xi1>, vector<16xf32>
      %parallel_loop3A_261 = arith.maximumf %parallel_loop3A_116, %parallel_loop3A_260 : vector<16xf32>
      %parallel_loop3A_262 = arith.constant 0.000000e+00 : f32
      %parallel_loop3A_263 = vector.broadcast %parallel_loop3A_262 : f32 to vector<16xf32>
      %parallel_loop3A_264 = arith.select %parallel_loop3A_257, %parallel_loop3A_249, %parallel_loop3A_263 : vector<16xi1>, vector<16xf32>
      %parallel_loop3A_265 = arith.addf %parallel_loop3A_124, %parallel_loop3A_264 : vector<16xf32>
      %parallel_loop3A_266 = arith.addi %parallel_loop3A_132, %parallel_loop3A_254 : vector<16xi32>
      %parallel_loop3A_267 = arith.constant 96 : i32
      %parallel_loop3A_268 = arith.addi %parallel_loop3A_110, %parallel_loop3A_267 : i32
      %parallel_loop3A_269 = arith.index_cast %parallel_loop3A_268 : i32 to index
      %parallel_loop3A_270 = tpu.vector_load %arg6[%parallel_loop3A_269] {strides = array<i32>} : memref<16384xf32, #tpu.memory_space<vmem>>, vector<16xf32>,
      %parallel_loop3A_271 = vector.shape_cast %parallel_loop3A_270 : vector<16xf32> to vector<16xf32>
      %parallel_loop3A_272 = arith.constant 96 : i32
      %parallel_loop3A_273 = arith.addi %parallel_loop3A_110, %parallel_loop3A_272 : i32
      %parallel_loop3A_274 = arith.index_cast %parallel_loop3A_273 : i32 to index
      %parallel_loop3A_275 = tpu.vector_load %arg8[%parallel_loop3A_274] {strides = array<i32>} : memref<16384xi32, #tpu.memory_space<vmem>>, vector<16xi32>,
      %parallel_loop3A_276 = vector.shape_cast %parallel_loop3A_275 : vector<16xi32> to vector<16xi32>
      %parallel_loop3A_277 = arith.constant 0 : i32
      %parallel_loop3A_278 = vector.broadcast %parallel_loop3A_277 : i32 to vector<16xi32>
      %parallel_loop3A_279 = arith.cmpi eq, %parallel_loop3A_276, %parallel_loop3A_278 : vector<16xi32>
      %parallel_loop3A_280 = arith.constant 0xFF800000 : f32
      %parallel_loop3A_281 = vector.broadcast %parallel_loop3A_280 : f32 to vector<16xf32>
      %parallel_loop3A_282 = arith.select %parallel_loop3A_279, %parallel_loop3A_271, %parallel_loop3A_281 : vector<16xi1>, vector<16xf32>
      %parallel_loop3A_283 = arith.maximumf %parallel_loop3A_117, %parallel_loop3A_282 : vector<16xf32>
      %parallel_loop3A_284 = arith.constant 0.000000e+00 : f32
      %parallel_loop3A_285 = vector.broadcast %parallel_loop3A_284 : f32 to vector<16xf32>
      %parallel_loop3A_286 = arith.select %parallel_loop3A_279, %parallel_loop3A_271, %parallel_loop3A_285 : vector<16xi1>, vector<16xf32>
      %parallel_loop3A_287 = arith.addf %parallel_loop3A_125, %parallel_loop3A_286 : vector<16xf32>
      %parallel_loop3A_288 = arith.addi %parallel_loop3A_133, %parallel_loop3A_276 : vector<16xi32>
      %parallel_loop3A_289 = arith.constant 112 : i32
      %parallel_loop3A_290 = arith.addi %parallel_loop3A_110, %parallel_loop3A_289 : i32
      %parallel_loop3A_291 = arith.index_cast %parallel_loop3A_290 : i32 to index
      %parallel_loop3A_292 = tpu.vector_load %arg6[%parallel_loop3A_291] {strides = array<i32>} : memref<16384xf32, #tpu.memory_space<vmem>>, vector<16xf32>,
      %parallel_loop3A_293 = vector.shape_cast %parallel_loop3A_292 : vector<16xf32> to vector<16xf32>
      %parallel_loop3A_294 = arith.constant 112 : i32
      %parallel_loop3A_295 = arith.addi %parallel_loop3A_110, %parallel_loop3A_294 : i32
      %parallel_loop3A_296 = arith.index_cast %parallel_loop3A_295 : i32 to index
      %parallel_loop3A_297 = tpu.vector_load %arg8[%parallel_loop3A_296] {strides = array<i32>} : memref<16384xi32, #tpu.memory_space<vmem>>, vector<16xi32>,
      %parallel_loop3A_298 = vector.shape_cast %parallel_loop3A_297 : vector<16xi32> to vector<16xi32>
      %parallel_loop3A_299 = arith.constant 0 : i32
      %parallel_loop3A_300 = vector.broadcast %parallel_loop3A_299 : i32 to vector<16xi32>
      %parallel_loop3A_301 = arith.cmpi eq, %parallel_loop3A_298, %parallel_loop3A_300 : vector<16xi32>
      %parallel_loop3A_302 = arith.constant 0xFF800000 : f32
      %parallel_loop3A_303 = vector.broadcast %parallel_loop3A_302 : f32 to vector<16xf32>
      %parallel_loop3A_304 = arith.select %parallel_loop3A_301, %parallel_loop3A_293, %parallel_loop3A_303 : vector<16xi1>, vector<16xf32>
      %parallel_loop3A_305 = arith.maximumf %parallel_loop3A_118, %parallel_loop3A_304 : vector<16xf32>
      %parallel_loop3A_306 = arith.constant 0.000000e+00 : f32
      %parallel_loop3A_307 = vector.broadcast %parallel_loop3A_306 : f32 to vector<16xf32>
      %parallel_loop3A_308 = arith.select %parallel_loop3A_301, %parallel_loop3A_293, %parallel_loop3A_307 : vector<16xi1>, vector<16xf32>
      %parallel_loop3A_309 = arith.addf %parallel_loop3A_126, %parallel_loop3A_308 : vector<16xf32>
      %parallel_loop3A_310 = arith.addi %parallel_loop3A_134, %parallel_loop3A_298 : vector<16xi32>
      scf.yield %parallel_loop3A_151, %parallel_loop3A_173, %parallel_loop3A_195, %parallel_loop3A_217, %parallel_loop3A_239, %parallel_loop3A_261, %parallel_loop3A_283, %parallel_loop3A_305, %parallel_loop3A_155, %parallel_loop3A_177, %parallel_loop3A_199, %parallel_loop3A_221, %parallel_loop3A_243, %parallel_loop3A_265, %parallel_loop3A_287, %parallel_loop3A_309, %parallel_loop3A_156, %parallel_loop3A_178, %parallel_loop3A_200, %parallel_loop3A_222, %parallel_loop3A_244, %parallel_loop3A_266, %parallel_loop3A_288, %parallel_loop3A_310 : vector<16xf32>, vector<16xf32>, vector<16xf32>, vector<16xf32>, vector<16xf32>, vector<16xf32>, vector<16xf32>, vector<16xf32>, vector<16xf32>, vector<16xf32>, vector<16xf32>, vector<16xf32>, vector<16xf32>, vector<16xf32>, vector<16xf32>, vector<16xf32>, vector<16xi32>, vector<16xi32>, vector<16xi32>, vector<16xi32>, vector<16xi32>, vector<16xi32>, vector<16xi32>, vector<16xi32>
    } {sc.loop_unroll_factor = 1 : i64, sc.parallel_access}
    %max3A = arith.maximumf %parallel_loop3A_76#0, %parallel_loop3A_76#1 : vector<16xf32>
    %max3A_77 = arith.maximumf %max3A, %parallel_loop3A_76#2 : vector<16xf32>
    %max3A_78 = arith.maximumf %max3A_77, %parallel_loop3A_76#3 : vector<16xf32>
    %max3A_79 = arith.maximumf %max3A_78, %parallel_loop3A_76#4 : vector<16xf32>
    %max3A_80 = arith.maximumf %max3A_79, %parallel_loop3A_76#5 : vector<16xf32>
    %max3A_81 = arith.maximumf %max3A_80, %parallel_loop3A_76#6 : vector<16xf32>
    %max3A_82 = arith.maximumf %max3A_81, %parallel_loop3A_76#7 : vector<16xf32>
    %add3A_83 = arith.addf %parallel_loop3A_76#8, %parallel_loop3A_76#9 : vector<16xf32>
    %add3A_84 = arith.addf %add3A_83, %parallel_loop3A_76#10 : vector<16xf32>
    %add3A_85 = arith.addf %add3A_84, %parallel_loop3A_76#11 : vector<16xf32>
    %add3A_86 = arith.addf %add3A_85, %parallel_loop3A_76#12 : vector<16xf32>
    %add3A_87 = arith.addf %add3A_86, %parallel_loop3A_76#13 : vector<16xf32>
    %add3A_88 = arith.addf %add3A_87, %parallel_loop3A_76#14 : vector<16xf32>
    %add3A_89 = arith.addf %add3A_88, %parallel_loop3A_76#15 : vector<16xf32>
    %add3A_90 = arith.addi %parallel_loop3A_76#16, %parallel_loop3A_76#17 : vector<16xi32>
    %add3A_91 = arith.addi %add3A_90, %parallel_loop3A_76#18 : vector<16xi32>
    %add3A_92 = arith.addi %add3A_91, %parallel_loop3A_76#19 : vector<16xi32>
    %add3A_93 = arith.addi %add3A_92, %parallel_loop3A_76#20 : vector<16xi32>
    %add3A_94 = arith.addi %add3A_93, %parallel_loop3A_76#21 : vector<16xi32>
    %add3A_95 = arith.addi %add3A_94, %parallel_loop3A_76#22 : vector<16xi32>
    %add3A_96 = arith.addi %add3A_95, %parallel_loop3A_76#23 : vector<16xi32>
    %sub3A = arith.constant 2048 : i32
    %sub3A_97 = vector.broadcast %sub3A : i32 to vector<16xi32>
    %sub3A_98 = arith.subi %sub3A_97, %add3A_96 : vector<16xi32>
    %convert_element_type3A = arith.sitofp %sub3A_98 : vector<16xi32> to vector<16xf32>
    %swap3A = arith.constant 0 : index
    %swap3A_99 = tpu.vector_load %arg9[%swap3A] {strides = array<i32>} : memref<48xf32, #tpu.memory_space<vmem>>, vector<16xf32>,
    %swap3A_100 = vector.shape_cast %swap3A_99 : vector<16xf32> to vector<16xf32>
    %swap3A_101 = vector.shape_cast %max3A_82 : vector<16xf32> to vector<16xf32>
    tpu.vector_store %arg9[%swap3A], %swap3A_101 {strides = array<i32>} : memref<48xf32, #tpu.memory_space<vmem>>, vector<16xf32>,
    %swap3A_102 = arith.constant 16 : index
    %swap3A_103 = tpu.vector_load %arg9[%swap3A_102] {strides = array<i32>} : memref<48xf32, #tpu.memory_space<vmem>>, vector<16xf32>,
    %swap3A_104 = vector.shape_cast %swap3A_103 : vector<16xf32> to vector<16xf32>
    %swap3A_105 = vector.shape_cast %add3A_89 : vector<16xf32> to vector<16xf32>
    tpu.vector_store %arg9[%swap3A_102], %swap3A_105 {strides = array<i32>} : memref<48xf32, #tpu.memory_space<vmem>>, vector<16xf32>,
    %swap3A_106 = arith.constant 32 : index
    %swap3A_107 = tpu.vector_load %arg9[%swap3A_106] {strides = array<i32>} : memref<48xf32, #tpu.memory_space<vmem>>, vector<16xf32>,
    %swap3A_108 = vector.shape_cast %swap3A_107 : vector<16xf32> to vector<16xf32>
    %swap3A_109 = vector.shape_cast %convert_element_type3A : vector<16xf32> to vector<16xf32>
    tpu.vector_store %arg9[%swap3A_106], %swap3A_109 {strides = array<i32>} : memref<48xf32, #tpu.memory_space<vmem>>, vector<16xf32>,
    "tpu.region"() ({
      %run_scoped3A = tpu.sem_alloc : memref<!tpu.dma_semaphore, #tpu.memory_space<semaphore_mem>>
      %dma_start3A_110 = arith.constant 0 : i32
      %dma_start3A_111 = tpu.memref_slice %arg4[%add3A, %dma_start3A_110] : memref<32x48xf32, #tpu.memory_space<hbm>> -> memref<1x48xf32, #tpu.memory_space<hbm>>
      %dma_start3A_112 = tpu.memref_squeeze %dma_start3A_111 : memref<1x48xf32, #tpu.memory_space<hbm>> -> memref<48xf32, #tpu.memory_space<hbm>>
      %dma_start3A_113 = arith.constant 0 : i32
      %dma_start3A_114 = tpu.memref_slice %arg4[%add3A, %dma_start3A_113] : memref<32x48xf32, #tpu.memory_space<hbm>> -> memref<1x48xf32, #tpu.memory_space<hbm>>
      %dma_start3A_115 = tpu.memref_squeeze %dma_start3A_114 : memref<1x48xf32, #tpu.memory_space<hbm>> -> memref<48xf32, #tpu.memory_space<hbm>>
      tpu.enqueue_dma source(%arg9 : memref<48xf32, #tpu.memory_space<vmem>>) target(%dma_start3A_115 : memref<48xf32, #tpu.memory_space<hbm>>) target_semaphore(%run_scoped3A : memref<!tpu.dma_semaphore, #tpu.memory_space<semaphore_mem>>)
      %dma_wait3A_116 = arith.constant 0 : i32
      %dma_wait3A_117 = tpu.memref_slice %arg4[%add3A, %dma_wait3A_116] : memref<32x48xf32, #tpu.memory_space<hbm>> -> memref<1x48xf32, #tpu.memory_space<hbm>>
      %dma_wait3A_118 = tpu.memref_squeeze %dma_wait3A_117 : memref<1x48xf32, #tpu.memory_space<hbm>> -> memref<48xf32, #tpu.memory_space<hbm>>
      %dma_wait3A_119 = arith.constant 0 : i32
      %dma_wait3A_120 = tpu.memref_slice %arg4[%add3A, %dma_wait3A_119] : memref<32x48xf32, #tpu.memory_space<hbm>> -> memref<1x48xf32, #tpu.memory_space<hbm>>
      %dma_wait3A_121 = tpu.memref_squeeze %dma_wait3A_120 : memref<1x48xf32, #tpu.memory_space<hbm>> -> memref<48xf32, #tpu.memory_space<hbm>>
      tpu.wait_dma2 semaphore(%run_scoped3A : memref<!tpu.dma_semaphore, #tpu.memory_space<semaphore_mem>>) src(%arg9 : memref<48xf32, #tpu.memory_space<vmem>>) dst(%dma_wait3A_121 : memref<48xf32, #tpu.memory_space<hbm>>)
      tpu.yield
    }) : () -> ()
    return
  }
}

module attributes {stable_mosaic.version = 14 : i64} {
  func.func @body(%arg0: i32, %arg1: memref<4xf32, #tpu.memory_space<smem>>, %arg2: memref<4096x128xf32, #tpu.memory_space<vmem>>, %arg3: memref<4096x128xf32, #tpu.memory_space<vmem>>, %arg4: memref<1x1xf32, #tpu.memory_space<smem>>, %arg5: memref<1x128xf32, #tpu.memory_space<vmem>>) attributes {dimension_semantics = [#tpu.dimension_semantics<arbitrary>], iteration_bounds = array<i64: 4>, scalar_prefetch = 0 : i64, scratch_operands = 1 : i64, tpu.core_type = #tpu.core_type<tc>, window_params = [{transform_indices = @transform_0, window_bounds = array<i64: 4>}, {transform_indices = @transform_1, window_bounds = array<i64: 4096, 128>}, {transform_indices = @transform_2, window_bounds = array<i64: 4096, 128>}, {transform_indices = @transform_3, window_bounds = array<i64: 1, 1>}]} {
    %eq3A = arith.constant 0 : i32
    %eq3A_0 = arith.cmpi eq, %arg0, %eq3A : i32
    %convert_element_type3A = arith.extui %eq3A_0 : i1 to i32
    %cond3A = arith.constant 0 : i32
    %cond3A_1 = arith.cmpi ne, %convert_element_type3A, %cond3A : i32
    scf.if %cond3A_1 {
      %broadcast_in_dim3A_32 = arith.constant 0.000000e+00 : f32
      %broadcast_in_dim3A_33 = vector.broadcast %broadcast_in_dim3A_32 : f32 to vector<1x128xf32>
      %swap3A_34 = arith.constant 0 : index
      %swap3A_35 = arith.constant 0 : index
      %swap3A_36 = vector.load %arg5[%swap3A_34, %swap3A_35] : memref<1x128xf32, #tpu.memory_space<vmem>>, vector<1x128xf32>
      tpu.vector_store %arg5[%swap3A_34, %swap3A_35], %broadcast_in_dim3A_33 {strides = array<i32>} : memref<1x128xf32, #tpu.memory_space<vmem>>, vector<1x128xf32>,
    } else {
    }
    %get3A = arith.constant 0 : index
    %get3A_2 = memref.load %arg1[%get3A] : memref<4xf32, #tpu.memory_space<smem>>
    %get3A_3 = arith.constant 0 : index
    %get3A_4 = arith.constant 0 : index
    %get3A_5 = vector.load %arg5[%get3A_3, %get3A_4] : memref<1x128xf32, #tpu.memory_space<vmem>>, vector<1x128xf32>
    %get3A_6 = arith.constant 0 : index
    %get3A_7 = arith.constant 0 : index
    %get3A_8 = vector.load %arg2[%get3A_6, %get3A_7] : memref<4096x128xf32, #tpu.memory_space<vmem>>, vector<4096x128xf32>
    %sub3A = vector.broadcast %get3A_2 : f32 to vector<4096x128xf32>
    %sub3A_9 = arith.subf %sub3A, %get3A_8 : vector<4096x128xf32>
    %max3A = arith.constant 0.000000e+00 : f32
    %max3A_10 = vector.broadcast %max3A : f32 to vector<4096x128xf32>
    %max3A_11 = arith.maximumf %sub3A_9, %max3A_10 : vector<4096x128xf32>
    %reduce_sum3A = arith.constant dense<0.000000e+00> : vector<128xf32>
    %reduce_sum3A_12 = vector.multi_reduction <add>, %max3A_11, %reduce_sum3A [0] : vector<4096x128xf32> to vector<128xf32>
    %broadcast_in_dim3A = vector.shape_cast %reduce_sum3A_12 : vector<128xf32> to vector<1x128xf32>
    %add3A = arith.addf %get3A_5, %broadcast_in_dim3A : vector<1x128xf32>
    %get3A_13 = arith.constant 0 : index
    %get3A_14 = arith.constant 0 : index
    %get3A_15 = vector.load %arg3[%get3A_13, %get3A_14] : memref<4096x128xf32, #tpu.memory_space<vmem>>, vector<4096x128xf32>
    %sub3A_16 = vector.broadcast %get3A_2 : f32 to vector<4096x128xf32>
    %sub3A_17 = arith.subf %sub3A_16, %get3A_15 : vector<4096x128xf32>
    %max3A_18 = arith.constant 0.000000e+00 : f32
    %max3A_19 = vector.broadcast %max3A_18 : f32 to vector<4096x128xf32>
    %max3A_20 = arith.maximumf %sub3A_17, %max3A_19 : vector<4096x128xf32>
    %reduce_sum3A_21 = arith.constant dense<0.000000e+00> : vector<128xf32>
    %reduce_sum3A_22 = vector.multi_reduction <add>, %max3A_20, %reduce_sum3A_21 [0] : vector<4096x128xf32> to vector<128xf32>
    %broadcast_in_dim3A_23 = vector.shape_cast %reduce_sum3A_22 : vector<128xf32> to vector<1x128xf32>
    %add3A_24 = arith.addf %add3A, %broadcast_in_dim3A_23 : vector<1x128xf32>
    %swap3A = arith.constant 0 : index
    %swap3A_25 = arith.constant 0 : index
    %swap3A_26 = vector.load %arg5[%swap3A, %swap3A_25] : memref<1x128xf32, #tpu.memory_space<vmem>>, vector<1x128xf32>
    tpu.vector_store %arg5[%swap3A, %swap3A_25], %add3A_24 {strides = array<i32>} : memref<1x128xf32, #tpu.memory_space<vmem>>, vector<1x128xf32>,
    %eq3A_27 = arith.constant 3 : i32
    %eq3A_28 = arith.cmpi eq, %arg0, %eq3A_27 : i32
    %convert_element_type3A_29 = arith.extui %eq3A_28 : i1 to i32
    %cond3A_30 = arith.constant 0 : i32
    %cond3A_31 = arith.cmpi ne, %convert_element_type3A_29, %cond3A_30 : i32
    scf.if %cond3A_31 {
      %get3A_32 = arith.constant 0 : index
      %get3A_33 = arith.constant 0 : index
      %get3A_34 = vector.load %arg5[%get3A_32, %get3A_33] : memref<1x128xf32, #tpu.memory_space<vmem>>, vector<1x128xf32>
      %reduce_sum3A_35 = vector.shape_cast %get3A_34 : vector<1x128xf32> to vector<1x1x128xf32>
      %reduce_sum3A_36 = arith.constant dense<0.000000e+00> : vector<1xf32>
      %reduce_sum3A_37 = vector.multi_reduction <add>, %reduce_sum3A_35, %reduce_sum3A_36 [1, 2] : vector<1x1x128xf32> to vector<1xf32>
      %reduce_sum3A_38 = vector.shape_cast %reduce_sum3A_37 : vector<1xf32> to vector<1x1x1xf32>
      %reduce_sum3A_39 = vector.extract %reduce_sum3A_38[0, 0, 0] : f32 from vector<1x1x1xf32>
      %get3A_40 = arith.constant 1 : index
      %get3A_41 = memref.load %arg1[%get3A_40] : memref<4xf32, #tpu.memory_space<smem>>
      %sub3A_42 = arith.subf %reduce_sum3A_39, %get3A_41 : f32
      %get3A_43 = arith.constant 2 : index
      %get3A_44 = memref.load %arg1[%get3A_43] : memref<4xf32, #tpu.memory_space<smem>>
      %div3A = arith.divf %sub3A_42, %get3A_44 : f32
      %swap3A_45 = arith.constant 0 : index
      %swap3A_46 = arith.constant 0 : index
      %swap3A_47 = memref.load %arg4[%swap3A_45, %swap3A_46] : memref<1x1xf32, #tpu.memory_space<smem>>
      memref.store %div3A, %arg4[%swap3A_45, %swap3A_46] : memref<1x1xf32, #tpu.memory_space<smem>>
    } else {
    }
    return
  }
  func.func @transform_0(%arg0: i32) -> i32 {
    %c0_i32 = arith.constant 0 : i32
    %c0_i32_0 = arith.constant 0 : i32
    return %c0_i32 : i32
  }
  func.func @transform_1(%arg0: i32) -> (i32, i32) {
    %c0_i32 = arith.constant 0 : i32
    %c0_i32_0 = arith.constant 0 : i32
    return %arg0, %c0_i32 : i32, i32
  }
  func.func @transform_2(%arg0: i32) -> (i32, i32) {
    %add3A = arith.constant 4 : i32
    %add3A_0 = arith.addi %arg0, %add3A : i32
    %c0_i32 = arith.constant 0 : i32
    %c0_i32_1 = arith.constant 0 : i32
    return %add3A_0, %c0_i32 : i32, i32
  }
  func.func @transform_3(%arg0: i32) -> (i32, i32) {
    %c0_i32 = arith.constant 0 : i32
    %c0_i32_0 = arith.constant 0 : i32
    %c0_i32_1 = arith.constant 0 : i32
    return %c0_i32, %c0_i32_0 : i32, i32
  }
}

module attributes {stable_mosaic.version = 14 : i64} {
  func.func @body(%arg0: memref<32x48xf32, #tpu.memory_space<vmem>>, %arg1: memref<1x128xf32, #tpu.memory_space<vmem>>, %arg2: memref<1x128xf32, #tpu.memory_space<vmem>>, %arg3: memref<1x128xf32, #tpu.memory_space<vmem>>, %arg4: memref<1x128xi32, #tpu.memory_space<vmem>>, %arg5: memref<4xf32, #tpu.memory_space<smem>>) attributes {dimension_semantics = [], scalar_prefetch = 0 : i64, scratch_operands = 0 : i64, tpu.core_type = #tpu.core_type<tc>} {
    %get3A = arith.constant 0 : index
    %get3A_0 = arith.constant 0 : index
    %get3A_1 = vector.load %arg0[%get3A, %get3A_0] : memref<32x48xf32, #tpu.memory_space<vmem>>, vector<32x48xf32>
    %iota3A = tpu.iota {dimensions = array<i32: 1>} : vector<32x48xi32>
    %lt3A = arith.constant 16 : i32
    %lt3A_2 = vector.broadcast %lt3A : i32 to vector<32x48xi32>
    %lt3A_3 = arith.cmpi slt, %iota3A, %lt3A_2 : vector<32x48xi32>
    %jit3A = arith.constant 0xFF800000 : f32
    %broadcast_in_dim3A = vector.broadcast %jit3A : f32 to vector<32x48xf32>
    %select_n3A = arith.select %lt3A_3, %get3A_1, %broadcast_in_dim3A : vector<32x48xi1>, vector<32x48xf32>
    %reduce_max3A = vector.shape_cast %select_n3A : vector<32x48xf32> to vector<1x32x48xf32>
    %reduce_max3A_4 = arith.constant dense<0xFF800000> : vector<1xf32>
    %reduce_max3A_5 = vector.multi_reduction <maximumf>, %reduce_max3A, %reduce_max3A_4 [1, 2] : vector<1x32x48xf32> to vector<1xf32>
    %reduce_max3A_6 = vector.shape_cast %reduce_max3A_5 : vector<1xf32> to vector<1x1x1xf32>
    %reduce_max3A_7 = vector.extract %reduce_max3A_6[0, 0, 0] : f32 from vector<1x1x1xf32>
    %ge3A = arith.constant 16 : i32
    %ge3A_8 = vector.broadcast %ge3A : i32 to vector<32x48xi32>
    %ge3A_9 = arith.cmpi sge, %iota3A, %ge3A_8 : vector<32x48xi32>
    %lt3A_10 = arith.constant 32 : i32
    %lt3A_11 = vector.broadcast %lt3A_10 : i32 to vector<32x48xi32>
    %lt3A_12 = arith.cmpi slt, %iota3A, %lt3A_11 : vector<32x48xi32>
    %and3A = arith.andi %ge3A_9, %lt3A_12 : vector<32x48xi1>
    %jit3A_13 = arith.constant 0.000000e+00 : f32
    %broadcast_in_dim3A_14 = vector.broadcast %jit3A_13 : f32 to vector<32x48xf32>
    %select_n3A_15 = arith.select %and3A, %get3A_1, %broadcast_in_dim3A_14 : vector<32x48xi1>, vector<32x48xf32>
    %reduce_sum3A = vector.shape_cast %select_n3A_15 : vector<32x48xf32> to vector<1x32x48xf32>
    %reduce_sum3A_16 = arith.constant dense<0.000000e+00> : vector<1xf32>
    %reduce_sum3A_17 = vector.multi_reduction <add>, %reduce_sum3A, %reduce_sum3A_16 [1, 2] : vector<1x32x48xf32> to vector<1xf32>
    %reduce_sum3A_18 = vector.shape_cast %reduce_sum3A_17 : vector<1xf32> to vector<1x1x1xf32>
    %reduce_sum3A_19 = vector.extract %reduce_sum3A_18[0, 0, 0] : f32 from vector<1x1x1xf32>
    %ge3A_20 = arith.constant 32 : i32
    %ge3A_21 = vector.broadcast %ge3A_20 : i32 to vector<32x48xi32>
    %ge3A_22 = arith.cmpi sge, %iota3A, %ge3A_21 : vector<32x48xi32>
    %jit3A_23 = arith.constant 0.000000e+00 : f32
    %broadcast_in_dim3A_24 = vector.broadcast %jit3A_23 : f32 to vector<32x48xf32>
    %select_n3A_25 = arith.select %ge3A_22, %get3A_1, %broadcast_in_dim3A_24 : vector<32x48xi1>, vector<32x48xf32>
    %reduce_sum3A_26 = vector.shape_cast %select_n3A_25 : vector<32x48xf32> to vector<1x32x48xf32>
    %reduce_sum3A_27 = arith.constant dense<0.000000e+00> : vector<1xf32>
    %reduce_sum3A_28 = vector.multi_reduction <add>, %reduce_sum3A_26, %reduce_sum3A_27 [1, 2] : vector<1x32x48xf32> to vector<1xf32>
    %reduce_sum3A_29 = vector.shape_cast %reduce_sum3A_28 : vector<1xf32> to vector<1x1x1xf32>
    %reduce_sum3A_30 = vector.extract %reduce_sum3A_29[0, 0, 0] : f32 from vector<1x1x1xf32>
    %get3A_31 = arith.constant 0 : index
    %get3A_32 = arith.constant 0 : index
    %get3A_33 = vector.load %arg1[%get3A_31, %get3A_32] : memref<1x128xf32, #tpu.memory_space<vmem>>, vector<1x128xf32>
    %reduce_max3A_34 = vector.shape_cast %get3A_33 : vector<1x128xf32> to vector<1x1x128xf32>
    %reduce_max3A_35 = arith.constant dense<0xFF800000> : vector<1xf32>
    %reduce_max3A_36 = vector.multi_reduction <maximumf>, %reduce_max3A_34, %reduce_max3A_35 [1, 2] : vector<1x1x128xf32> to vector<1xf32>
    %reduce_max3A_37 = vector.shape_cast %reduce_max3A_36 : vector<1xf32> to vector<1x1x1xf32>
    %reduce_max3A_38 = vector.extract %reduce_max3A_37[0, 0, 0] : f32 from vector<1x1x1xf32>
    %get3A_39 = arith.constant 0 : index
    %get3A_40 = arith.constant 0 : index
    %get3A_41 = vector.load %arg4[%get3A_39, %get3A_40] : memref<1x128xi32, #tpu.memory_space<vmem>>, vector<1x128xi32>
    %reduce_sum3A_42 = vector.shape_cast %get3A_41 : vector<1x128xi32> to vector<1x1x128xi32>
    %reduce_sum3A_43 = arith.constant dense<0> : vector<1xi32>
    %reduce_sum3A_44 = vector.multi_reduction <add>, %reduce_sum3A_42, %reduce_sum3A_43 [1, 2] : vector<1x1x128xi32> to vector<1xi32>
    %reduce_sum3A_45 = vector.shape_cast %reduce_sum3A_44 : vector<1xi32> to vector<1x1x1xi32>
    %reduce_sum3A_46 = vector.extract %reduce_sum3A_45[0, 0, 0] : i32 from vector<1x1x1xi32>
    %convert_element_type3A = arith.sitofp %reduce_sum3A_46 : i32 to f32
    %sub3A = arith.constant 0x4A400000 : f32
    %sub3A_47 = arith.subf %sub3A, %convert_element_type3A : f32
    %get3A_48 = arith.constant 0 : index
    %get3A_49 = arith.constant 0 : index
    %get3A_50 = vector.load %arg2[%get3A_48, %get3A_49] : memref<1x128xf32, #tpu.memory_space<vmem>>, vector<1x128xf32>
    %reduce_sum3A_51 = vector.shape_cast %get3A_50 : vector<1x128xf32> to vector<1x1x128xf32>
    %reduce_sum3A_52 = arith.constant dense<0.000000e+00> : vector<1xf32>
    %reduce_sum3A_53 = vector.multi_reduction <add>, %reduce_sum3A_51, %reduce_sum3A_52 [1, 2] : vector<1x1x128xf32> to vector<1xf32>
    %reduce_sum3A_54 = vector.shape_cast %reduce_sum3A_53 : vector<1xf32> to vector<1x1x1xf32>
    %reduce_sum3A_55 = vector.extract %reduce_sum3A_54[0, 0, 0] : f32 from vector<1x1x1xf32>
    %get3A_56 = arith.constant 0 : index
    %get3A_57 = arith.constant 0 : index
    %get3A_58 = vector.load %arg3[%get3A_56, %get3A_57] : memref<1x128xf32, #tpu.memory_space<vmem>>, vector<1x128xf32>
    %reduce_sum3A_59 = vector.shape_cast %get3A_58 : vector<1x128xf32> to vector<1x1x128xf32>
    %reduce_sum3A_60 = arith.constant dense<0.000000e+00> : vector<1xf32>
    %reduce_sum3A_61 = vector.multi_reduction <add>, %reduce_sum3A_59, %reduce_sum3A_60 [1, 2] : vector<1x1x128xf32> to vector<1xf32>
    %reduce_sum3A_62 = vector.shape_cast %reduce_sum3A_61 : vector<1xf32> to vector<1x1x1xf32>
    %reduce_sum3A_63 = vector.extract %reduce_sum3A_62[0, 0, 0] : f32 from vector<1x1x1xf32>
    %sub3A_64 = arith.subf %reduce_sum3A_55, %reduce_sum3A_63 : f32
    %max3A = arith.maximumf %reduce_max3A_7, %reduce_max3A_38 : f32
    %add3A = arith.constant 1.000000e+00 : f32
    %add3A_65 = arith.addf %add3A, %max3A : f32
    %add3A_66 = arith.addf %reduce_sum3A_30, %sub3A_47 : f32
    %add3A_67 = arith.addf %reduce_sum3A_19, %sub3A_64 : f32
    %swap3A = arith.constant 0 : index
    %swap3A_68 = memref.load %arg5[%swap3A] : memref<4xf32, #tpu.memory_space<smem>>
    memref.store %add3A_65, %arg5[%swap3A] : memref<4xf32, #tpu.memory_space<smem>>
    %gt3A = arith.constant 0.000000e+00 : f32
    %gt3A_69 = arith.cmpf ogt, %add3A_66, %gt3A : f32
    %mul3A = arith.mulf %add3A_65, %add3A_66 : f32
    %sub3A_70 = arith.subf %mul3A, %add3A_67 : f32
    %jit3A_71 = arith.constant 0.000000e+00 : f32
    %select_n3A_72 = arith.select %gt3A_69, %sub3A_70, %jit3A_71 : f32
    %swap3A_73 = arith.constant 1 : index
    %swap3A_74 = memref.load %arg5[%swap3A_73] : memref<4xf32, #tpu.memory_space<smem>>
    memref.store %select_n3A_72, %arg5[%swap3A_73] : memref<4xf32, #tpu.memory_space<smem>>
    %sub3A_75 = arith.constant 0x4A800000 : f32
    %sub3A_76 = arith.subf %sub3A_75, %add3A_66 : f32
    %swap3A_77 = arith.constant 2 : index
    %swap3A_78 = memref.load %arg5[%swap3A_77] : memref<4xf32, #tpu.memory_space<smem>>
    memref.store %sub3A_76, %arg5[%swap3A_77] : memref<4xf32, #tpu.memory_space<smem>>
    return
  }
}

module attributes {stable_mosaic.version = 14 : i64} {
  func.func @body(%arg0: i32, %arg1: memref<4096x128xf32, #tpu.memory_space<vmem>>, %arg2: memref<4096x128xf32, #tpu.memory_space<vmem>>, %arg3: memref<4096x128xi32, #tpu.memory_space<vmem>>, %arg4: memref<4096x128xi32, #tpu.memory_space<vmem>>, %arg5: memref<1x128xf32, #tpu.memory_space<vmem>>, %arg6: memref<1x128xf32, #tpu.memory_space<vmem>>, %arg7: memref<1x128xf32, #tpu.memory_space<vmem>>, %arg8: memref<1x128xi32, #tpu.memory_space<vmem>>) attributes {dimension_semantics = [#tpu.dimension_semantics<arbitrary>], iteration_bounds = array<i64: 3>, scalar_prefetch = 0 : i64, scratch_operands = 0 : i64, tpu.core_type = #tpu.core_type<tc>, window_params = [{transform_indices = @transform_0, window_bounds = array<i64: 4096, 128>}, {transform_indices = @transform_1, window_bounds = array<i64: 4096, 128>}, {transform_indices = @transform_2, window_bounds = array<i64: 4096, 128>}, {transform_indices = @transform_3, window_bounds = array<i64: 4096, 128>}, {pipeline_mode = #tpu.pipeline_mode<synchronous>, transform_indices = @transform_4, window_bounds = array<i64: 1, 128>}, {pipeline_mode = #tpu.pipeline_mode<synchronous>, transform_indices = @transform_5, window_bounds = array<i64: 1, 128>}, {pipeline_mode = #tpu.pipeline_mode<synchronous>, transform_indices = @transform_6, window_bounds = array<i64: 1, 128>}, {pipeline_mode = #tpu.pipeline_mode<synchronous>, transform_indices = @transform_7, window_bounds = array<i64: 1, 128>}]} {
    %get3A = arith.constant 0 : index
    %get3A_0 = arith.constant 0 : index
    %get3A_1 = vector.load %arg1[%get3A, %get3A_0] : memref<4096x128xf32, #tpu.memory_space<vmem>>, vector<4096x128xf32>
    %get3A_2 = arith.constant 0 : index
    %get3A_3 = arith.constant 0 : index
    %get3A_4 = vector.load %arg3[%get3A_2, %get3A_3] : memref<4096x128xi32, #tpu.memory_space<vmem>>, vector<4096x128xi32>
    %convert_element_type3A = arith.sitofp %get3A_4 : vector<4096x128xi32> to vector<4096x128xf32>
    %mul3A = arith.constant 1.000000e+30 : f32
    %mul3A_5 = vector.broadcast %mul3A : f32 to vector<4096x128xf32>
    %mul3A_6 = arith.mulf %convert_element_type3A, %mul3A_5 : vector<4096x128xf32>
    %sub3A = arith.subf %get3A_1, %mul3A_6 : vector<4096x128xf32>
    %reduce_max3A = arith.constant dense<0xFF800000> : vector<128xf32>
    %reduce_max3A_7 = vector.multi_reduction <maximumf>, %sub3A, %reduce_max3A [0] : vector<4096x128xf32> to vector<128xf32>
    %broadcast_in_dim3A = vector.shape_cast %reduce_max3A_7 : vector<128xf32> to vector<1x128xf32>
    %reduce_sum3A = arith.constant dense<0.000000e+00> : vector<128xf32>
    %reduce_sum3A_8 = vector.multi_reduction <add>, %get3A_1, %reduce_sum3A [0] : vector<4096x128xf32> to vector<128xf32>
    %broadcast_in_dim3A_9 = vector.shape_cast %reduce_sum3A_8 : vector<128xf32> to vector<1x128xf32>
    %mul3A_10 = arith.mulf %get3A_1, %convert_element_type3A : vector<4096x128xf32>
    %reduce_sum3A_11 = arith.constant dense<0.000000e+00> : vector<128xf32>
    %reduce_sum3A_12 = vector.multi_reduction <add>, %mul3A_10, %reduce_sum3A_11 [0] : vector<4096x128xf32> to vector<128xf32>
    %broadcast_in_dim3A_13 = vector.shape_cast %reduce_sum3A_12 : vector<128xf32> to vector<1x128xf32>
    %reduce_sum3A_14 = arith.constant dense<0> : vector<128xi32>
    %reduce_sum3A_15 = vector.multi_reduction <add>, %get3A_4, %reduce_sum3A_14 [0] : vector<4096x128xi32> to vector<128xi32>
    %broadcast_in_dim3A_16 = vector.shape_cast %reduce_sum3A_15 : vector<128xi32> to vector<1x128xi32>
    %get3A_17 = arith.constant 0 : index
    %get3A_18 = arith.constant 0 : index
    %get3A_19 = vector.load %arg2[%get3A_17, %get3A_18] : memref<4096x128xf32, #tpu.memory_space<vmem>>, vector<4096x128xf32>
    %get3A_20 = arith.constant 0 : index
    %get3A_21 = arith.constant 0 : index
    %get3A_22 = vector.load %arg4[%get3A_20, %get3A_21] : memref<4096x128xi32, #tpu.memory_space<vmem>>, vector<4096x128xi32>
    %convert_element_type3A_23 = arith.sitofp %get3A_22 : vector<4096x128xi32> to vector<4096x128xf32>
    %mul3A_24 = arith.constant 1.000000e+30 : f32
    %mul3A_25 = vector.broadcast %mul3A_24 : f32 to vector<4096x128xf32>
    %mul3A_26 = arith.mulf %convert_element_type3A_23, %mul3A_25 : vector<4096x128xf32>
    %sub3A_27 = arith.subf %get3A_19, %mul3A_26 : vector<4096x128xf32>
    %reduce_max3A_28 = arith.constant dense<0xFF800000> : vector<128xf32>
    %reduce_max3A_29 = vector.multi_reduction <maximumf>, %sub3A_27, %reduce_max3A_28 [0] : vector<4096x128xf32> to vector<128xf32>
    %broadcast_in_dim3A_30 = vector.shape_cast %reduce_max3A_29 : vector<128xf32> to vector<1x128xf32>
    %reduce_sum3A_31 = arith.constant dense<0.000000e+00> : vector<128xf32>
    %reduce_sum3A_32 = vector.multi_reduction <add>, %get3A_19, %reduce_sum3A_31 [0] : vector<4096x128xf32> to vector<128xf32>
    %broadcast_in_dim3A_33 = vector.shape_cast %reduce_sum3A_32 : vector<128xf32> to vector<1x128xf32>
    %mul3A_34 = arith.mulf %get3A_19, %convert_element_type3A_23 : vector<4096x128xf32>
    %reduce_sum3A_35 = arith.constant dense<0.000000e+00> : vector<128xf32>
    %reduce_sum3A_36 = vector.multi_reduction <add>, %mul3A_34, %reduce_sum3A_35 [0] : vector<4096x128xf32> to vector<128xf32>
    %broadcast_in_dim3A_37 = vector.shape_cast %reduce_sum3A_36 : vector<128xf32> to vector<1x128xf32>
    %reduce_sum3A_38 = arith.constant dense<0> : vector<128xi32>
    %reduce_sum3A_39 = vector.multi_reduction <add>, %get3A_22, %reduce_sum3A_38 [0] : vector<4096x128xi32> to vector<128xi32>
    %broadcast_in_dim3A_40 = vector.shape_cast %reduce_sum3A_39 : vector<128xi32> to vector<1x128xi32>
    %max3A = arith.maximumf %broadcast_in_dim3A, %broadcast_in_dim3A_30 : vector<1x128xf32>
    %add3A = arith.addf %broadcast_in_dim3A_9, %broadcast_in_dim3A_33 : vector<1x128xf32>
    %add3A_41 = arith.addf %broadcast_in_dim3A_13, %broadcast_in_dim3A_37 : vector<1x128xf32>
    %add3A_42 = arith.addi %broadcast_in_dim3A_16, %broadcast_in_dim3A_40 : vector<1x128xi32>
    %eq3A = arith.constant 0 : i32
    %eq3A_43 = arith.cmpi eq, %arg0, %eq3A : i32
    %convert_element_type3A_44 = arith.extui %eq3A_43 : i1 to i32
    %cond3A = arith.constant 0 : i32
    %cond3A_45 = arith.cmpi ne, %convert_element_type3A_44, %cond3A : i32
    scf.if %cond3A_45 {
      %swap3A = arith.constant 0 : index
      %swap3A_50 = arith.constant 0 : index
      %swap3A_51 = vector.load %arg5[%swap3A, %swap3A_50] : memref<1x128xf32, #tpu.memory_space<vmem>>, vector<1x128xf32>
      tpu.vector_store %arg5[%swap3A, %swap3A_50], %max3A {strides = array<i32>} : memref<1x128xf32, #tpu.memory_space<vmem>>, vector<1x128xf32>,
      %swap3A_52 = arith.constant 0 : index
      %swap3A_53 = arith.constant 0 : index
      %swap3A_54 = vector.load %arg6[%swap3A_52, %swap3A_53] : memref<1x128xf32, #tpu.memory_space<vmem>>, vector<1x128xf32>
      tpu.vector_store %arg6[%swap3A_52, %swap3A_53], %add3A {strides = array<i32>} : memref<1x128xf32, #tpu.memory_space<vmem>>, vector<1x128xf32>,
      %swap3A_55 = arith.constant 0 : index
      %swap3A_56 = arith.constant 0 : index
      %swap3A_57 = vector.load %arg7[%swap3A_55, %swap3A_56] : memref<1x128xf32, #tpu.memory_space<vmem>>, vector<1x128xf32>
      tpu.vector_store %arg7[%swap3A_55, %swap3A_56], %add3A_41 {strides = array<i32>} : memref<1x128xf32, #tpu.memory_space<vmem>>, vector<1x128xf32>,
      %swap3A_58 = arith.constant 0 : index
      %swap3A_59 = arith.constant 0 : index
      %swap3A_60 = vector.load %arg8[%swap3A_58, %swap3A_59] : memref<1x128xi32, #tpu.memory_space<vmem>>, vector<1x128xi32>
      tpu.vector_store %arg8[%swap3A_58, %swap3A_59], %add3A_42 {strides = array<i32>} : memref<1x128xi32, #tpu.memory_space<vmem>>, vector<1x128xi32>,
    } else {
    }
    %gt3A = arith.constant 0 : i32
    %gt3A_46 = arith.cmpi sgt, %arg0, %gt3A : i32
    %convert_element_type3A_47 = arith.extui %gt3A_46 : i1 to i32
    %cond3A_48 = arith.constant 0 : i32
    %cond3A_49 = arith.cmpi ne, %convert_element_type3A_47, %cond3A_48 : i32
    scf.if %cond3A_49 {
      %get3A_50 = arith.constant 0 : index
      %get3A_51 = arith.constant 0 : index
      %get3A_52 = vector.load %arg5[%get3A_50, %get3A_51] : memref<1x128xf32, #tpu.memory_space<vmem>>, vector<1x128xf32>
      %max3A_53 = arith.maximumf %get3A_52, %max3A : vector<1x128xf32>
      %swap3A = arith.constant 0 : index
      %swap3A_54 = arith.constant 0 : index
      %swap3A_55 = vector.load %arg5[%swap3A, %swap3A_54] : memref<1x128xf32, #tpu.memory_space<vmem>>, vector<1x128xf32>
      tpu.vector_store %arg5[%swap3A, %swap3A_54], %max3A_53 {strides = array<i32>} : memref<1x128xf32, #tpu.memory_space<vmem>>, vector<1x128xf32>,
      %get3A_56 = arith.constant 0 : index
      %get3A_57 = arith.constant 0 : index
      %get3A_58 = vector.load %arg6[%get3A_56, %get3A_57] : memref<1x128xf32, #tpu.memory_space<vmem>>, vector<1x128xf32>
      %add3A_59 = arith.addf %get3A_58, %add3A : vector<1x128xf32>
      %swap3A_60 = arith.constant 0 : index
      %swap3A_61 = arith.constant 0 : index
      %swap3A_62 = vector.load %arg6[%swap3A_60, %swap3A_61] : memref<1x128xf32, #tpu.memory_space<vmem>>, vector<1x128xf32>
      tpu.vector_store %arg6[%swap3A_60, %swap3A_61], %add3A_59 {strides = array<i32>} : memref<1x128xf32, #tpu.memory_space<vmem>>, vector<1x128xf32>,
      %get3A_63 = arith.constant 0 : index
      %get3A_64 = arith.constant 0 : index
      %get3A_65 = vector.load %arg7[%get3A_63, %get3A_64] : memref<1x128xf32, #tpu.memory_space<vmem>>, vector<1x128xf32>
      %add3A_66 = arith.addf %get3A_65, %add3A_41 : vector<1x128xf32>
      %swap3A_67 = arith.constant 0 : index
      %swap3A_68 = arith.constant 0 : index
      %swap3A_69 = vector.load %arg7[%swap3A_67, %swap3A_68] : memref<1x128xf32, #tpu.memory_space<vmem>>, vector<1x128xf32>
      tpu.vector_store %arg7[%swap3A_67, %swap3A_68], %add3A_66 {strides = array<i32>} : memref<1x128xf32, #tpu.memory_space<vmem>>, vector<1x128xf32>,
      %get3A_70 = arith.constant 0 : index
      %get3A_71 = arith.constant 0 : index
      %get3A_72 = vector.load %arg8[%get3A_70, %get3A_71] : memref<1x128xi32, #tpu.memory_space<vmem>>, vector<1x128xi32>
      %add3A_73 = arith.addi %get3A_72, %add3A_42 : vector<1x128xi32>
      %swap3A_74 = arith.constant 0 : index
      %swap3A_75 = arith.constant 0 : index
      %swap3A_76 = vector.load %arg8[%swap3A_74, %swap3A_75] : memref<1x128xi32, #tpu.memory_space<vmem>>, vector<1x128xi32>
      tpu.vector_store %arg8[%swap3A_74, %swap3A_75], %add3A_73 {strides = array<i32>} : memref<1x128xi32, #tpu.memory_space<vmem>>, vector<1x128xi32>,
    } else {
    }
    return
  }
  func.func @transform_0(%arg0: i32) -> (i32, i32) {
    %c0_i32 = arith.constant 0 : i32
    %c0_i32_0 = arith.constant 0 : i32
    return %arg0, %c0_i32 : i32, i32
  }
  func.func @transform_1(%arg0: i32) -> (i32, i32) {
    %add3A = arith.constant 3 : i32
    %add3A_0 = arith.addi %arg0, %add3A : i32
    %c0_i32 = arith.constant 0 : i32
    %c0_i32_1 = arith.constant 0 : i32
    return %add3A_0, %c0_i32 : i32, i32
  }
  func.func @transform_2(%arg0: i32) -> (i32, i32) {
    %c0_i32 = arith.constant 0 : i32
    %c0_i32_0 = arith.constant 0 : i32
    return %arg0, %c0_i32 : i32, i32
  }
  func.func @transform_3(%arg0: i32) -> (i32, i32) {
    %add3A = arith.constant 3 : i32
    %add3A_0 = arith.addi %arg0, %add3A : i32
    %c0_i32 = arith.constant 0 : i32
    %c0_i32_1 = arith.constant 0 : i32
    return %add3A_0, %c0_i32 : i32, i32
  }
  func.func @transform_4(%arg0: i32) -> (i32, i32) {
    %c0_i32 = arith.constant 0 : i32
    %c0_i32_0 = arith.constant 0 : i32
    %c0_i32_1 = arith.constant 0 : i32
    return %c0_i32, %c0_i32_0 : i32, i32
  }
  func.func @transform_5(%arg0: i32) -> (i32, i32) {
    %c0_i32 = arith.constant 0 : i32
    %c0_i32_0 = arith.constant 0 : i32
    %c0_i32_1 = arith.constant 0 : i32
    return %c0_i32, %c0_i32_0 : i32, i32
  }
  func.func @transform_6(%arg0: i32) -> (i32, i32) {
    %c0_i32 = arith.constant 0 : i32
    %c0_i32_0 = arith.constant 0 : i32
    %c0_i32_1 = arith.constant 0 : i32
    return %c0_i32, %c0_i32_0 : i32, i32
  }
  func.func @transform_7(%arg0: i32) -> (i32, i32) {
    %c0_i32 = arith.constant 0 : i32
    %c0_i32_0 = arith.constant 0 : i32
    %c0_i32_1 = arith.constant 0 : i32
    return %c0_i32, %c0_i32_0 : i32, i32
  }
}

</mosaic_0001>

<sc_bundles>
// kernel: kernel.6.cloned.1.call-start
scs
__scs_entry_jumppad:
0x0: {  	(pc) =	sbr.rel $0x88, $3  }
0x1: {  	(tag) =	ssettag $0x0;
	lr =	simm.s32 $0x1  }
0x2: {  	[smem:$0x3F9F] =	sst lr;
	_ =	strace $0xD0000000  }
0x3: {  	_ = 	snop  }
0x4: {  	_ = 	snop  }
0x5: {  	_ = 	snop  }
0x6: {  	_ = 	snop  }
0x7: {  	_ = 	snop  }
__scs_overlays_trampoline_lowered:
0x8: {  	[smem:$0x3FAE] =	sst s0  }
0x9: {  	[smem:$0x3FAF] =	sst s1  }
0xa: {  	[smem:$0x3FB0] =	sst s2  }
0xb: {  	[smem:$0x3FB1] =	sst s3  }
0xc: {  	[smem:$0x3FB2] =	sst s4  }
0xd: {  	[smem:$0x3FB3] =	sst s5  }
0xe: {  	[smem:$0x3FB4] =	sst s6  }
0xf: {  	[smem:$0x3FB5] =	sst s7  }
0x10: {  	[smem:$0x3FB6] =	sst s8  }
0x11: {  	[smem:$0x3FB7] =	sst s9;
	s0 =	simm.s32 @!p0 $0x0  }
0x12: {  	s1 =	sld [smem:$0x3F9D];
	s0 =	simm.s32 @p0 $0x1  }
0x13: {  	[smem:$0x3FB8] =	sst s0;
	s0 =	simm.s32 @!p1 $0x0  }
0x14: {  	s2 =	sld [smem:$0x3F9C];
	s0 =	simm.s32 @p1 $0x1  }
0x15: {  	[smem:$0x3FB9] =	sst s0;
	s0 =	simm.s32 @!p2 $0x0  }
0x16: {  	s3 =	sld [smem:$0x3FDB];
	s0 =	simm.s32 @p2 $0x1  }
0x17: {  	s4 =	simm.s32 $0x1BF5;
	[smem:$0x3FBB] =	sst s0  }
0x18: {  	s0 =	sld [smem:$0x3F9E];
	_ =	swait.ge [sflag:s4], $0x0  }
0x19: {  	s7 =	sld [smem:$0x3F9F]  }
0x1a: {  	s8 =	sadd.s32 $0xFFFFE003, lr  }
0x1b: {  	s9 =	sadd.s32 $0xFFFFFEF7, lr;
	s5 =	simm.s32 $0xFFFFFFFF;
	p2 =	slt.u32 s8, $0xFFFFF086  }
0x1c: {  	p1 =	slt.u32 s9, $0xF7A;
	s5 =	simm.s32 @!p2 $0x0  }
0x1d: {  	s5 =	simm.s32 @p1 $0x1;
	p0 =	seq.s32 s7, s2  }
0x1e: {  	s7 =	smul.u32 @!p0 $0xF7A, s2;
	p2 =	seq.s32 @!p0 s5, $0x0  }
0x1f: {  	s9 =	smul.u32 $0xF7A, s1;
	s8 =	simm.s32 @!p0 $0x1BF5;
	p2 =	por !p2, p0  }
0x20: {  	[sflag:s8] =	ssyncset.s32 @!p0 $0xFFFFF086;
	s6 =	sadd.s32 @!p0 s3, s7;
	s7 =	simm.s32 @!p0 $0x108  }
0x21: {  	s3 =	sadd.s32 s3, s9;
	s6 =	sadd.s32 @!p0 $0x88, s6;
	s7 =	simm.s32 @p2 $0x1082  }
0x22: {  	[simem:s7], [sflag:s8] =	dma.local @!p0 [hbm:s6], $0xF7A  }
0x23: {  	s9 =	sor.u32 $0xD0000000, s2;
	s6 =	simm.s32 $0x108;
	_ =	swait.ge @!p0 [sflag:s8], $0x0  }
0x24: {  	s3 =	sadd.s32 $0x88, s3;
	s6 =	simm.s32 @!p1 $0x1082;
	[sflag:s4] =	ssyncset.s32 $0xFFFFF086  }
0x25: {  	[simem:s6], [sflag:s4] =	dma.local [hbm:s3], $0xF7A  }
0x26: {  	[smem:$0x3F9F] =	sst s1;
	(tag) =	ssettag s2;
	_ =	strace s9  }
0x27: {  	s1 =	sld [smem:$0x3FAF]  }
0x28: {  	s2 =	sld [smem:$0x3FB0]  }
0x29: {  	s4 =	sld [smem:$0x3FB2]  }
0x2a: {  	p0 =	seq.s32 s5, $0x0;
	s5 =	sld [smem:$0x3FB3]  }
0x2b: {  	s6 =	sld [smem:$0x3FB4]  }
0x2c: {  	s7 =	sld [smem:$0x3FB5]  }
0x2d: {  	s3 =	simm.s32 $0x108;
	s8 =	sld [smem:$0x3FB6]  }
0x2e: {  	s3 =	simm.s32 @!p0 $0x1082;
	s9 =	sld [smem:$0x3FB7]  }
0x2f: {  	lr =	sadd.s32 s0, s3;
	s0 =	sld [smem:$0x3FAE]  }
0x30: {  	s3 =	sld [smem:$0x3FB1]  }
0x31: {  	[smem:$0x3FBA] =	sst s10  }
0x32: {  	s10 =	sld [smem:$0x3FB8];
	_ =	sdelay $0x3  }
0x33: {  	p0 =	seq.s32 s10, $0x1;
	s10 =	sld [smem:$0x3FBA];
	_ =	sdelay $0x3  }
0x34: {  	[smem:$0x3FBA] =	sst s10  }
0x35: {  	s10 =	sld [smem:$0x3FB9];
	_ =	sdelay $0x3  }
0x36: {  	p1 =	seq.s32 s10, $0x1;
	s10 =	sld [smem:$0x3FBA];
	_ =	sdelay $0x3  }
0x37: {  	[smem:$0x3FBA] =	sst s10  }
0x38: {  	s10 =	sld [smem:$0x3FBB]  }
0x39: {  	_ = 	snop;
	(pc) =	sbr.ind lr, $3  }
0x3a: {  	_ = 	snop  }
0x3b: {  	_ = 	snop  }
0x3c: {  	p2 =	seq.s32 s10, $0x1;
	s10 =	sld [smem:$0x3FBA]  }
0x3d: {  	_ =	shalt  }
0x3e: {  	_ =	shalt  }
0x3f: {  	_ =	shalt  }
0x40: {  	_ =	shalt  }
0x41: {  	_ =	shalt  }
0x42: {  	_ =	shalt  }
0x43: {  	_ =	shalt  }
0x44: {  	_ =	shalt  }
0x45: {  	_ =	shalt  }
0x46: {  	_ =	shalt  }
0x47: {  	_ =	shalt  }
0x48: {  	_ =	shalt  }
0x49: {  	_ =	shalt  }
0x4a: {  	_ =	shalt  }
0x4b: {  	_ =	shalt  }
0x4c: {  	_ =	shalt  }
0x4d: {  	_ =	shalt  }
0x4e: {  	_ =	shalt  }
0x4f: {  	_ =	shalt  }
0x50: {  	_ =	shalt  }
0x51: {  	_ =	shalt  }
0x52: {  	_ =	shalt  }
0x53: {  	_ =	shalt  }
0x54: {  	_ =	shalt  }
0x55: {  	_ =	shalt  }
0x56: {  	_ =	shalt  }
0x57: {  	_ =	shalt  }
0x58: {  	_ =	shalt  }
0x59: {  	_ =	shalt  }
0x5a: {  	_ =	shalt  }
0x5b: {  	_ =	shalt  }
0x5c: {  	_ =	shalt  }
0x5d: {  	_ =	shalt  }
0x5e: {  	_ =	shalt  }
0x5f: {  	_ =	shalt  }
0x60: {  	_ =	shalt  }
0x61: {  	_ =	shalt  }
0x62: {  	_ =	shalt  }
0x63: {  	_ =	shalt  }
0x64: {  	_ =	shalt  }
0x65: {  	_ =	shalt  }
0x66: {  	_ =	shalt  }
0x67: {  	_ =	shalt  }
0x68: {  	_ =	shalt  }
0x69: {  	_ =	shalt  }
0x6a: {  	_ =	shalt  }
0x6b: {  	_ =	shalt  }
0x6c: {  	_ =	shalt  }
0x6d: {  	_ =	shalt  }
0x6e: {  	_ =	shalt  }
0x6f: {  	_ =	shalt  }
0x70: {  	_ =	shalt  }
0x71: {  	_ =	shalt  }
0x72: {  	_ =	shalt  }
0x73: {  	_ =	shalt  }
0x74: {  	_ =	shalt  }
0x75: {  	_ =	shalt  }
0x76: {  	_ =	shalt  }
0x77: {  	_ =	shalt  }
0x78: {  	_ =	shalt  }
0x79: {  	_ =	shalt  }
0x7a: {  	_ =	shalt  }
0x7b: {  	_ =	shalt  }
0x7c: {  	_ =	shalt  }
0x7d: {  	_ =	shalt  }
0x7e: {  	_ =	shalt  }
0x7f: {  	_ =	shalt  }
0x80: {  	_ =	shalt  }
0x81: {  	_ =	shalt  }
0x82: {  	_ =	shalt  }
0x83: {  	_ =	shalt  }
0x84: {  	_ =	shalt  }
0x85: {  	_ =	shalt  }
0x86: {  	_ =	shalt  }
0x87: {  	_ =	shalt  }
.Lfunc_end0:
.L_simem_size_0:
called_computation_lowered:
.L_overlay_start_0:
0x88: {  	s2 =	sld [smem:$0x3FD9]  }
0x89: {  	s3 =	sld [smem:$0x3FFE];
	_ =	sdelay $0x1  }
0x8a: {  	s1 =	srdreg.scid  }
0x8b: {  	s0 =	sand.u32 $0x1, s1  }
0x8c: {  	s17 =	sshll.u32 s0, $0xA;
	s2 =	sadd.s32 s3, s2  }
0x8d: {  	s2 =	sadd.s32 s2, s17  }
0x8e: {  	[smem:$0x3FC6] =	sst s2  }
0x8f: {  	_ = 	snop  }
0x90: {  	s2 =	sld [smem:$0x3FC9]  }
0x91: {  	s18 =	sld [smem:$0x3FC8];
	(tm) =	ssettm $0x1  }
0x92: {  	s4 =	sld [smem:$0x3FFB];
	_ =	sdelay $0x3  }
0x93: {  	_ =	strace s4  }
0x94: {  	s4 =	sld [smem:$0x3FFC];
	_ =	sdelay $0x3  }
0x95: {  	_ =	strace s4  }
0x96: {  	s4 =	sld [smem:$0x3FFD];
	_ =	sdelay $0x3  }
0x97: {  	_ =	strace s4  }
0x98: {  	_ =	strace $0x8FFFFFFF  }
0x99: {  	s19 =	sld [smem:$0x3FDB];
	_ =	sdelay $0x1  }
0x9a: {  	s5 =	simm.s32 $_scs_section_size  }
0x9b: {  	s6 =	simm.s32 $_size__tile_overlayer_lowered;
	s7 =	simm.s32 $_tile_overlayer_lowered  }
0x9c: {  	s22 =	simm.s32 $0x1BFF;
	s21 =	sshll.u32 s7, $0x1;
	s4 =	sadd.s32 s5, s19  }
0x9d: {  	s8 =	simm.s32 $0x0;
	s20 =	sshll.u32 s6, $0x1;
	s6 =	sadd.s32 s21, s4  }
0x9e: {  	[timem:s8], [sflag:s22] =	dma.local [hbm:s6], s20  }
0x9f: {  	_ =	swait.ge [sflag:s22], s20  }
0xa0: {  	s5 =	ssub.s32 $0x0, s20;
	[sflag:s22] =	ssyncset.done $0x0  }
0xa1: {  	[sflag:s22] =	ssyncadd.s32 s5;
	_ =	sdelay $0x1  }
0xa2: {  	s23 =	simm.s32 $0x1B8B  }
0xa3: {  	_ =	swait.ge [sflag:s23], $0x1  }
0xa4: {  	[sflag:s23] =	ssyncset.done $0x0  }
0xa5: {  	s25 =	simm.s32 $0x1B8E;
	s24 =	sld [smem:$0x3FFE];
	[sflag:s23] =	ssyncadd.s32 $0xFFFFFFFF  }
0xa6: {  	s26 =	simm.s32 $execute0_lowered;
	[smem:$0x3FD2] =	sst s25  }
0xa7: {  	s6 =	sshll.u32 s26, $0x1;
	_ =	strace $0x80000046;
	[dreg:$0x1] =	wrdreg $0xFFFFFFFF  }
0xa8: {  	s28 =	simm.s32 $_size_execute0_lowered;
	s4 =	sadd.s32 s4, s6;
	[dreg:$0x0] =	wrdreg $0x0  }
0xa9: {  	s6 =	sshll.u32 s28, $0x1;
	[dreg:$0x2] =	wrdreg s4  }
0xaa: {  	[dreg:$0x3] =	wrdreg s6  }
0xab: {  	[dreg:$0x4] =	wrdreg $0xC0  }
0xac: {  	_ =	task [dreg:s8], $0x5FFFF  }
0xad: {  	[dreg:$0x1] =	wrdreg $0xFFFFFFFF  }
0xae: {  	[dreg:$0x0] =	wrdreg $0x60  }
0xaf: {  	[dreg:$0x2] =	wrdreg s2  }
0xb0: {  	[dreg:$0x3] =	wrdreg s18  }
0xb1: {  	[dreg:$0x4] =	wrdreg s24  }
0xb2: {  	[dreg:$0x5] =	wrdreg $0x9  }
0xb3: {  	_ =	task.clear_ibuf [dreg:s8], $0x6FFFF;
	_ =	strace $0x90000046  }
0xb4: {  	s29 =	simm.s32 $0x9;
	_ =	strace $0x80000048  }
0xb5: {  	_ =	swait.ge [sflag:s29], $0x1  }
0xb6: {  	[sflag:s29] =	ssyncadd.s32 $0xFFFFFFFF  }
0xb7: {  	_ =	strace $0x90000048  }
0xb8: {  	_ =	sfence  }
0xb9: {  	s30 =	sld [smem:$0x0];
	_ =	sdelay $0x2  }
0xba: {  	s31 =	sshll.u32 s1, $0xD;
	s1 =	sshrl.u32 s1, $0x2  }
0xbb: {  	s3 =	sand.u32 $0x4000, s31;
	s1 =	sadd.s32 s1, s30  }
0xbc: {  	s0 =	sor.u32 s3, s0;
	s1 =	sshll.u32 s1, $0x11  }
0xbd: {  	s0 =	sor.u32 s1, s0  }
0xbe: {  	s0 =	sadd.s32 $0x8F2B, s0  }
0xbf: {  	[sflag:s0] =	ssyncadd.remote.s32 $0x1  }
0xc0: {  	_ =	sfence.sel $0xFFFF  }
0xc1: {  	[dreg:$0x0] =	wrdreg $0xFFFFFFFF;
	(pc) =	sbr.abs _section_cstart, $3  }
0xc2: {  	[dreg:$0x1] =	wrdreg $0xFFFFFFFF  }
0xc3: {  	_ =	task.clear_ibuf [dreg:s8], $0x2FFFF;
	_ =	strace $0x9FFFFFFF  }
0xc4: {  	(tm) =	ssettm $0x7FFFFFFF  }
0xc5: {  	_ =	shalt  }
tec
execute0_lowered:
.L_overlay_start_1:
0x0: {  	(tag) =	ssettag $0x1  }
0x1: {  	s5 =	rddreg [dreg:$0x0]  }
0x2: {  	s6 =	rddreg [dreg:$0x1]  }
0x3: {  	s3 =	rddreg [dreg:$0x2]  }
0x4: {  	s0 =	rddreg [dreg:$0x3]  }
0x5: {  	s2 =	simm.s32 $0x0;
	s4 =	srdreg.scid;
	s1 =	stileid.u32  }
0x6: {  	s10 =	simm.s32 $0x4000;
	s11 =	simm.s32 $0xC000;
	s12 =	simm.s32 $0x1  }
0x7: {  	s13 =	simm.s32 $0x2;
	s14 =	simm.s32 $0x10000;
	s15 =	simm.s32 $0x3  }
0x8: {  	[smem:$0x7FF] =	sst s2;
	s4 =	sand.u32 $0x1, s4;
	s7 =	sshll.u32 s1, $0x1  }
0x9: {  	s16 =	simm.s32 $0x0;
	_ =	strace $0x80000047;
	s7 =	sor.u32 s4, s7  }
0xa: {  	s4 =	ssub.s32 $0x2, s4;
	s8 =	sshll.u32 s7, $0x4;
	s7 =	sshll.u32 s7, $0xC  }
0xb: {  	s9 =	sshrl.u32 s4, $0x1;
	s8 =	sadd.s32 s8, s3;
	s31 =	sor.u32 $0x60000, s7  }
0xc: {  	s9 =	ssub.s32 s4, s9;
	s7 =	sor.u32 $0x60800, s7;
	s3 =	sadd.s32 s5, s31  }
0xd: {  	s4 =	sadd.s32 s6, s31;
	s5 =	sadd.s32 s5, s7;
	s6 =	sadd.s32 s6, s7  }
0xe: {  	s7 =	sadd.s32 $0xC00, s8;
	s8 =	smax.u32 s9, $0x1;
	s9 =	simm.s32 $0x8000  }
.LBB2_1:
0xf: {  	[tilespmem:s2], [sflag:$0x1] =	stream.linear.gather [hbm4b:s3+s2], $0x4000, $0x38;
	[tilespmem:$0x10080] =	vst v63  }
0x10: {  	_ = 	snop  }
0x11: {  	[tilespmem:s9], [sflag:$0x1] =	stream.linear.gather [hbm4b:s4+s2], $0x4000, $0x38;
	[tilespmem:$0x10080] =	vst v63  }
0x12: {  	_ = 	snop  }
0x13: {  	[tilespmem:s10], [sflag:$0x2] =	stream.linear.gather [hbm4b:s5+s2], $0x4000, $0x38;
	[tilespmem:$0x10080] =	vst v63  }
0x14: {  	_ = 	snop  }
0x15: {  	[tilespmem:s11], [sflag:$0x2] =	stream.linear.gather [hbm4b:s6+s2], $0x4000, $0x38;
	[tilespmem:$0x10080] =	vst v63  }
0x16: {  	_ =	swait.ge [sflag:s12], $0x4000  }
0x17: {  	[sflag:s12] =	ssyncset.done $0x0  }
0x18: {  	[sflag:s12] =	ssyncadd.s32 $0xFFFFC000  }
0x19: {  	_ =	swait.ge [sflag:s12], $0x4000  }
0x1a: {  	[sflag:s12] =	ssyncset.done $0x0  }
0x1b: {  	s17 =	simm.s32 $0x8040;
	[sflag:s12] =	ssyncadd.s32 $0xFFFFC000  }
0x1c: {  	v8 =	vld [tilespmem:s17+$0xFFFFFFC0]  }
0x1d: {  	v10 =	vld [tilespmem:s17+$0xFFFFFFD0]  }
0x1e: {  	v11 =	vld [tilespmem:s17+$0xFFFFFFE0]  }
0x1f: {  	v12 =	vld [tilespmem:s17+$0xFFFFFFF0]  }
0x20: {  	v5 =	vld [tilespmem:s17+$0x0]  }
0x21: {  	s19 =	simm.s32 $0x40;
	v7 =	vld [tilespmem:s17+$0x10]  }
0x22: {  	v9 =	vimm.f32 $-Inf;
	v4 =	vimm.f32 $0.0e+00;
	v6 =	vimm.s32 $0x0;
	v19 =	vld [tilespmem:s19+$0xFFFFFFC0]  }
0x23: {  	v15 =	vimm.f32 $-Inf;
	v13 =	vimm.f32 $-Inf;
	v26 =	vimm.f32 $-Inf;
	v17 =	vld [tilespmem:s19+$0xFFFFFFD0]  }
0x24: {  	v33 =	vimm.f32 $-Inf;
	v35 =	vimm.f32 $0.0e+00;
	v36 =	vimm.f32 $0.0e+00;
	v25 =	vld [tilespmem:s19+$0xFFFFFFE0]  }
0x25: {  	v31 =	vimm.f32 $0.0e+00;
	v29 =	vimm.f32 $0.0e+00;
	v24 =	vimm.f32 $0.0e+00;
	v21 =	vld [tilespmem:s19+$0xFFFFFFF0]  }
0x26: {  	v22 =	vimm.f32 $0.0e+00;
	v23 =	vimm.s32 $0x0;
	v30 =	vimm.f32 $0.0e+00;
	v34 =	vld [tilespmem:s19+$0x0]  }
0x27: {  	v27 =	vimm.s32 $0x0;
	v28 =	vimm.s32 $0x0;
	v39 =	vld [tilespmem:s17+$0x20];
	v2 =	vadd.s32 v6, v8  }
0x28: {  	v40 =	vld [tilespmem:s17+$0x30];
	v0 =	vadd.s32 v6, v10;
	v1 =	vadd.s32 v6, v11;
	v3 =	vadd.s32 v6, v12  }
0x29: {  	v37 =	vld [tilespmem:s19+$0x10];
	vm5 =	veq.s32 v8, $0x0;
	vm3 =	veq.s32 v10, $0x0;
	vm4 =	veq.s32 v11, $0x0  }
0x2a: {  	v38 =	vld [tilespmem:s19+$0x20];
	vm1 =	veq.s32 v12, $0x0;
	vm2 =	veq.s32 v5, $0x0;
	vm0 =	veq.s32 v7, $0x0  }
0x2b: {  	s18 =	simm.s32 $0x0;
	v41 =	vld [tilespmem:s19+$0x30];
	s19 =	simm.s32 $0xC0;
	v12 =	vimm.f32 $-Inf;
	v10 =	vimm.f32 $-Inf;
	v11 =	vimm.f32 $-Inf  }
.LBB2_2:
0x2c: {  	v8 =	vld [tilespmem:s19+$0xFFFFFFC0];
	v32 =	vmax.f32 v9, v19;
	v16 =	vmax.f32 v15, v17;
	vm6 =	veq.s32 v39, $0x0;
	v18 =	vmovc v39  }
0x2d: {  	v20 =	vld [tilespmem:s19+$0xFFFFFFD0];
	v9 =	vsel vm5, v32, v9;
	v15 =	vsel vm3, v16, v15;
	vm7 =	veq.s32 v40, $0x0;
	v14 =	vmovc v40  }
0x2e: {  	v39 =	vmax.f32 v13, v21;
	v32 =	vmax.f32 v12, v25;
	v40 =	vmax.f32 v10, v34;
	v16 =	vld [tilespmem:s19+$0xFFFFFFE0]  }
0x2f: {  	v13 =	vsel vm1, v39, v13;
	v12 =	vsel vm4, v32, v12;
	v10 =	vsel vm2, v40, v10;
	v42 =	vld [tilespmem:s19+$0xFFFFFFF0]  }
0x30: {  	s17 =	sadd.s32 $0x80, s17;
	v39 =	vmax.f32 v11, v37;
	v40 =	vmax.f32 v26, v38;
	v32 =	vld [tilespmem:s19+$0x0];
	v43 =	vmax.f32 v33, v41  }
0x31: {  	v11 =	vsel vm0, v39, v11;
	v26 =	vsel vm6, v40, v26;
	v44 =	vld [tilespmem:s17+$0xFFFFFFC0];
	v33 =	vsel vm7, v43, v33  }
0x32: {  	v45 =	vnsel vm4, $0x0, v25;
	v39 =	vnsel vm5, $0x0, v19;
	v40 =	vnsel vm3, $0x0, v17;
	v19 =	vmovc v8;
	v43 =	vld [tilespmem:s17+$0xFFFFFFD0];
	v17 =	vmovc v20  }
0x33: {  	v46 =	vnsel vm2, $0x0, v34;
	v37 =	vnsel vm0, $0x0, v37;
	v20 =	vnsel vm1, $0x0, v21;
	v8 =	vld [tilespmem:s17+$0xFFFFFFE0];
	v25 =	vmovc v16  }
0x34: {  	v38 =	vnsel vm6, $0x0, v38;
	v4 =	vadd.f32 v39, v4;
	v41 =	vnsel vm7, $0x0, v41;
	v16 =	vld [tilespmem:s17+$0xFFFFFFF0];
	v21 =	vmovc v42  }
0x35: {  	v6 =	vadd.s32 v6, v5;
	s18 =	sadd.s32 $0x80, s18;
	v36 =	vadd.f32 v45, v36;
	v35 =	vadd.f32 v40, v35;
	v5 =	vld [tilespmem:s17+$0x0];
	v34 =	vmovc v32  }
0x36: {  	v29 =	vadd.f32 v46, v29;
	p0 =	slt.u32 s18, $0x3F80;
	v31 =	vadd.f32 v20, v31;
	v2 =	vadd.s32 v2, v44;
	v32 =	vld [tilespmem:s17+$0x10]  }
.Ltmp0:
0x37: {  	v24 =	vadd.f32 v37, v24;
	v22 =	vadd.f32 v38, v22;
	v0 =	vadd.s32 v0, v43;
	v39 =	vld [tilespmem:s17+$0x20];
	(pc) =	sbr.rel @p0 .LBB2_2-.Ltmp0, $4  }
0x38: {  	v23 =	vadd.s32 v23, v7;
	v30 =	vadd.f32 v41, v30;
	v1 =	vadd.s32 v1, v8;
	v40 =	vld [tilespmem:s17+$0x30]  }
0x39: {  	v27 =	vadd.s32 v27, v18;
	v28 =	vadd.s32 v28, v14;
	v3 =	vadd.s32 v3, v16;
	v37 =	vld [tilespmem:s19+$0x10]  }
0x3a: {  	vm5 =	veq.s32 v44, $0x0;
	vm3 =	veq.s32 v43, $0x0;
	vm4 =	veq.s32 v8, $0x0;
	v38 =	vld [tilespmem:s19+$0x20]  }
0x3b: {  	vm1 =	veq.s32 v16, $0x0;
	vm2 =	veq.s32 v5, $0x0;
	vm0 =	veq.s32 v32, $0x0;
	v41 =	vld [tilespmem:s19+$0x30];
	s19 =	sadd.s32 $0x80, s19;
	v7 =	vmovc v32  }
0x3c: {  	_ =	swait.ge [sflag:s13], $0x4000  }
0x3d: {  	[sflag:s13] =	ssyncset.done $0x0  }
0x3e: {  	[sflag:s13] =	ssyncadd.s32 $0xFFFFC000  }
0x3f: {  	_ =	swait.ge [sflag:s13], $0x4000  }
0x40: {  	[sflag:s13] =	ssyncset.done $0x0  }
0x41: {  	s19 =	simm.s32 $0x4040;
	[sflag:s13] =	ssyncadd.s32 $0xFFFFC000  }
0x42: {  	v14 =	vmax.f32 v9, v19;
	v16 =	vmax.f32 v15, v17;
	vm6 =	veq.s32 v39, $0x0;
	v8 =	vld [tilespmem:s19+$0xFFFFFFC0]  }
0x43: {  	v14 =	vsel vm5, v14, v9;
	v15 =	vsel vm3, v16, v15;
	v16 =	vmax.f32 v12, v25;
	v9 =	vld [tilespmem:s19+$0xFFFFFFD0]  }
0x44: {  	v18 =	vmax.f32 v13, v21;
	v20 =	vmax.f32 v10, v34;
	v16 =	vsel vm4, v16, v12;
	v12 =	vld [tilespmem:s19+$0xFFFFFFE0]  }
0x45: {  	v19 =	vnsel vm5, $0x0, v19;
	v18 =	vsel vm1, v18, v13;
	v42 =	vmax.f32 v26, v38;
	v13 =	vld [tilespmem:s19+$0xFFFFFFF0]  }
0x46: {  	s17 =	simm.s32 $0xC040;
	v17 =	vnsel vm3, $0x0, v17;
	v20 =	vsel vm2, v20, v10;
	v10 =	vsel vm6, v42, v26;
	v26 =	vld [tilespmem:s19+$0x0]  }
0x47: {  	v5 =	vadd.s32 v6, v5;
	vm5 =	veq.s32 v40, $0x0;
	v25 =	vnsel vm4, $0x0, v25;
	v60 =	vld [tilespmem:s17+$0xFFFFFFC0]  }
0x48: {  	v32 =	vmax.f32 v11, v37;
	v25 =	vadd.f32 v25, v36;
	v6 =	vnsel vm0, $0x0, v37;
	v44 =	vld [tilespmem:s17+$0xFFFFFFD0]  }
0x49: {  	v11 =	vsel vm0, v32, v11;
	v32 =	vadd.f32 v19, v4;
	v43 =	vmax.f32 v33, v41;
	v61 =	vld [tilespmem:s17+$0xFFFFFFE0]  }
0x4a: {  	v4 =	vsel vm5, v43, v33;
	v33 =	vadd.f32 v17, v35;
	v17 =	vnsel vm1, $0x0, v21;
	v62 =	vld [tilespmem:s17+$0xFFFFFFF0]  }
0x4b: {  	v19 =	vnsel vm2, $0x0, v34;
	v24 =	vadd.f32 v6, v24;
	v21 =	vadd.f32 v17, v31;
	v17 =	vld [tilespmem:s17+$0x0]  }
0x4c: {  	v19 =	vadd.f32 v19, v29;
	v29 =	vnsel vm6, $0x0, v38;
	v63 =	vnsel vm5, $0x0, v41;
	v31 =	vld [tilespmem:s17+$0x10]  }
0x4d: {  	v29 =	vadd.f32 v29, v22;
	v22 =	vadd.s32 v23, v7;
	v23 =	vadd.f32 v63, v30;
	v30 =	vld [tilespmem:s17+$0x20]  }
0x4e: {  	v6 =	vadd.s32 v28, v40;
	v7 =	vadd.s32 v27, v39;
	v28 =	vld [tilespmem:s17+$0x30];
	v2 =	vadd.s32 v2, v60  }
0x4f: {  	v34 =	vld [tilespmem:s19+$0x20];
	v27 =	vadd.s32 v0, v44;
	v1 =	vadd.s32 v1, v61;
	v0 =	vadd.s32 v3, v62  }
0x50: {  	v35 =	vld [tilespmem:s19+$0x30];
	vm4 =	veq.s32 v60, $0x0;
	vm5 =	veq.s32 v44, $0x0;
	vm3 =	veq.s32 v61, $0x0  }
0x51: {  	s18 =	simm.s32 $0x0;
	v3 =	vld [tilespmem:s19+$0x10];
	vm0 =	veq.s32 v62, $0x0;
	vm1 =	veq.s32 v17, $0x0;
	vm2 =	veq.s32 v31, $0x0;
	s19 =	simm.s32 $0x40C0  }
.LBB2_4:
0x52: {  	v36 =	vld [tilespmem:s19+$0xFFFFFFC0];
	v40 =	vmax.f32 v14, v8;
	v38 =	vmax.f32 v15, v9;
	vm6 =	veq.s32 v30, $0x0;
	v39 =	vmovc v30  }
0x53: {  	v30 =	vld [tilespmem:s19+$0xFFFFFFD0];
	v14 =	vsel vm4, v40, v14;
	v15 =	vsel vm5, v38, v15;
	vm7 =	veq.s32 v28, $0x0;
	v37 =	vmovc v28  }
0x54: {  	v41 =	vmax.f32 v20, v26;
	v38 =	vmax.f32 v16, v12;
	v40 =	vmax.f32 v18, v13;
	v28 =	vld [tilespmem:s19+$0xFFFFFFE0]  }
0x55: {  	v20 =	vsel vm1, v41, v20;
	v16 =	vsel vm3, v38, v16;
	v18 =	vsel vm0, v40, v18;
	v42 =	vld [tilespmem:s19+$0xFFFFFFF0]  }
0x56: {  	s17 =	sadd.s32 $0x80, s17;
	v40 =	vmax.f32 v11, v3;
	v41 =	vmax.f32 v10, v34;
	v38 =	vld [tilespmem:s19+$0x0];
	v43 =	vmax.f32 v4, v35  }
0x57: {  	v11 =	vsel vm2, v40, v11;
	v10 =	vsel vm6, v41, v10;
	v44 =	vld [tilespmem:s17+$0xFFFFFFC0];
	v4 =	vsel vm7, v43, v4  }
0x58: {  	v45 =	vnsel vm3, $0x0, v12;
	v41 =	vnsel vm4, $0x0, v8;
	v43 =	vnsel vm5, $0x0, v9;
	v8 =	vmovc v36;
	v40 =	vld [tilespmem:s17+$0xFFFFFFD0];
	v9 =	vmovc v30  }
0x59: {  	v46 =	vnsel vm1, $0x0, v26;
	v3 =	vnsel vm2, $0x0, v3;
	v30 =	vnsel vm0, $0x0, v13;
	v36 =	vld [tilespmem:s17+$0xFFFFFFE0];
	v12 =	vmovc v28  }
0x5a: {  	v32 =	vadd.f32 v41, v32;
	v28 =	vnsel vm6, $0x0, v34;
	v34 =	vnsel vm7, $0x0, v35;
	v47 =	vld [tilespmem:s17+$0xFFFFFFF0];
	v13 =	vmovc v42  }
0x5b: {  	v5 =	vadd.s32 v5, v17;
	s18 =	sadd.s32 $0x80, s18;
	v25 =	vadd.f32 v45, v25;
	v33 =	vadd.f32 v43, v33;
	v17 =	vld [tilespmem:s17+$0x0];
	v26 =	vmovc v38  }
0x5c: {  	v19 =	vadd.f32 v46, v19;
	p0 =	slt.u32 s18, $0x3F80;
	v21 =	vadd.f32 v30, v21;
	v2 =	vadd.s32 v2, v44;
	v38 =	vld [tilespmem:s17+$0x10]  }
.Ltmp1:
0x5d: {  	v24 =	vadd.f32 v3, v24;
	v29 =	vadd.f32 v28, v29;
	v27 =	vadd.s32 v27, v40;
	v30 =	vld [tilespmem:s17+$0x20];
	(pc) =	sbr.rel @p0 .LBB2_4-.Ltmp1, $4  }
0x5e: {  	v22 =	vadd.s32 v22, v31;
	v23 =	vadd.f32 v34, v23;
	v1 =	vadd.s32 v1, v36;
	v28 =	vld [tilespmem:s17+$0x30]  }
0x5f: {  	v7 =	vadd.s32 v7, v39;
	v6 =	vadd.s32 v6, v37;
	v0 =	vadd.s32 v0, v47;
	v3 =	vld [tilespmem:s19+$0x10]  }
0x60: {  	vm4 =	veq.s32 v44, $0x0;
	vm5 =	veq.s32 v40, $0x0;
	vm3 =	veq.s32 v36, $0x0;
	v34 =	vld [tilespmem:s19+$0x20]  }
0x61: {  	vm0 =	veq.s32 v47, $0x0;
	vm1 =	veq.s32 v17, $0x0;
	vm2 =	veq.s32 v38, $0x0;
	v35 =	vld [tilespmem:s19+$0x30];
	s19 =	sadd.s32 $0x80, s19;
	v31 =	vmovc v38  }
0x62: {  	v36 =	vmax.f32 v14, v8  }
0x63: {  	v37 =	vmax.f32 v15, v9;
	vm7 =	veq.s32 v30, $0x0;
	v43 =	vmax.f32 v16, v12  }
0x64: {  	v44 =	vmax.f32 v18, v13;
	v38 =	vmax.f32 v20, v26;
	v46 =	vnsel vm4, $0x0, v8  }
0x65: {  	v47 =	vnsel vm5, $0x0, v9;
	v50 =	vnsel vm3, $0x0, v12;
	v51 =	vnsel vm0, $0x0, v13  }
0x66: {  	v52 =	vnsel vm1, $0x0, v26;
	v5 =	vadd.s32 v5, v17;
	v57 =	vadd.s32 v22, v31  }
0x67: {  	v2 =	vadd.s32 v27, v2;
	v58 =	vadd.s32 v7, v30;
	v14 =	vsel vm4, v36, v14  }
0x68: {  	v15 =	vsel vm5, v37, v15;
	vm6 =	veq.s32 v28, $0x0;
	v16 =	vsel vm3, v43, v16  }
0x69: {  	v18 =	vsel vm0, v44, v18;
	v8 =	vadd.f32 v46, v32;
	v9 =	vadd.f32 v47, v33  }
0x6a: {  	v20 =	vsel vm1, v38, v20;
	v12 =	vadd.f32 v50, v25;
	v13 =	vadd.f32 v52, v19  }
0x6b: {  	v1 =	vadd.s32 v1, v2;
	v61 =	vadd.s32 v6, v28;
	v8 =	vadd.f32 v9, v8  }
0x6c: {  	v45 =	vmax.f32 v11, v3;
	v53 =	vnsel vm2, $0x0, v3;
	v14 =	vmax.f32 v14, v15  }
0x6d: {  	v0 =	vadd.s32 v0, v1;
	v9 =	vadd.f32 v51, v21;
	v8 =	vadd.f32 v12, v8  }
0x6e: {  	v48 =	vmax.f32 v10, v34;
	v11 =	vsel vm2, v45, v11;
	v54 =	vnsel vm7, $0x0, v34  }
0x6f: {  	v3 =	vadd.f32 v53, v24;
	v59 =	vmax.f32 v14, v16;
	v8 =	vadd.f32 v9, v8  }
0x70: {  	v0 =	vadd.s32 v5, v0;
	v49 =	vmax.f32 v4, v35;
	v10 =	vsel vm7, v48, v10  }
0x71: {  	v55 =	vnsel vm6, $0x0, v35;
	v56 =	vadd.f32 v54, v29;
	v8 =	vadd.f32 v13, v8  }
0x72: {  	v60 =	vmax.f32 v59, v18;
	v0 =	vadd.s32 v57, v0;
	v12 =	vadd.f32 v55, v23  }
0x73: {  	v1 =	vmax.f32 v60, v20;
	v0 =	vadd.s32 v58, v0;
	v3 =	vadd.f32 v3, v8  }
0x74: {  	v62 =	vsel vm6, v49, v4;
	v1 =	vmax.f32 v1, v11;
	v0 =	vadd.s32 v61, v0  }
0x75: {  	v1 =	vmax.f32 v1, v10;
	v0 =	vsub.s32 $0x800, v0;
	v3 =	vadd.f32 v56, v3  }
0x76: {  	v1 =	vmax.f32 v1, v62;
	v0 =	vcvt.s32.f32 v0  }
0x77: {  	s16 =	sadd.s32 $0x1, s16;
	[tilespmem:$0x10000] =	vst v1;
	v63 =	vadd.f32 v12, v3  }
0x78: {  	p0 =	sne.s32 s16, s8;
	[tilespmem:$0x10020] =	vst v0  }
.Ltmp2:
0x79: {  	[tilespmem:$0x10010] =	vst v63;
	(pc) =	sbr.rel @p0 .LBB2_1-.Ltmp2, $4  }
0x7a: {  	[hbm4b:s7+s2] =	stream.linear.scatter [tilespmem:s14], [sflag:$0x3], $0x80, $0x38;
	[tilespmem:$0x10080] =	vst v63  }
0x7b: {  	_ =	swait.ge [sflag:s15], $0x80  }
0x7c: {  	[sflag:s15] =	ssyncset.done $0x0  }
0x7d: {  	[sflag:s15] =	ssyncadd.s32 $0xFFFFFF80  }
0x7e: {  	_ =	sfence.sel $0x180000  }
0x7f: {  	[bflag:$0x0] =	sbarrier.arrive $0xFFFF  }
0x80: {  	p0 =	sne.s32 s1, $0x0;
	_ =	strace $0x90000047  }
0x81: {  	s0 =	sadd.s32 @!p0 $0x100000, s0;
	[bflag:$0x2] =	sbarrier.arrive $0xFFFF  }
0x82: {  	[sflag:s0] =	ssyncadd.tile.s32 @!p0 $0x1;
	_ =	shalt  }
.Lfunc_end2:
_tile_overlayer_lowered:
.L_overlay_start_2:
0x83: {  	(tag) =	ssettag $0x2  }
0x84: {  	s0 =	rddreg [dreg:$0x0];
	s2 =	stileid.u32  }
0x85: {  	s1 =	rddreg [dreg:$0x1];
	p0 =	sne.s32 s2, $0x0  }
0x86: {  	s3 =	rddreg [dreg:$0x2];
	[bflag:$0x3] =	sbarrier.arrive $0xFFFF;
	s2 =	simm.s32 @!p0 $0x1C03  }
0x87: {  	[timem:s3], [sflag:s2] =	dma.local @!p0 [hbm:s0], s1  }
0x88: {  	s0 =	simm.s32 @!p0 $0x3  }
0x89: {  	_ =	swait.ge @!p0 [sflag:s0], s1  }
0x8a: {  	s1 =	ssub.s32 @!p0 $0x0, s1;
	[sflag:s0] =	ssyncset.done @!p0 $0x0  }
0x8b: {  	[sflag:s0] =	ssyncadd.s32 @!p0 s1  }
0x8c: {  	[bflag:$0x3] =	sbarrier.arrive $0xFFFF  }
0x8d: {  	_ =	shalt  }

</sc_bundles>
